<compile_context>
chip_gen: v7x
topology: tpu7x:2x2x1
jax: 0.10.2.dev20260603
libtpu: 0.0.44.dev20260713+nightly
codegen_flags: <defaults>
</compile_context>

<pallas_src>
import functools

import jax
import jax.numpy as jnp
from jax import lax
from jax.experimental import pallas as pl
from jax.experimental.pallas import tpu as pltpu
from jax.experimental.pallas import tpu_sc as plsc

VOCAB = 1000000
DIM = 64
BATCH = 16384

NC = 2
NS = 16
LANES = 16
NW = NC * NS
B_PER_W = BATCH // NW
CHUNK = 128
N_CHUNKS = B_PER_W // CHUNK
GROUPS = B_PER_W // LANES


def _sc_logits_kernel(center_hbm, context_hbm, win_hbm, wout_hbm, out_hbm,
                      cidx_v, oidx_v, a_v, b_v, tr_v, logit_v, sem_a, sem_b):
    wid = lax.axis_index("s") * NC + lax.axis_index("c")
    base = wid * B_PER_W

    pltpu.sync_copy(center_hbm.at[pl.ds(base, B_PER_W)], cidx_v)
    pltpu.sync_copy(context_hbm.at[pl.ds(base, B_PER_W)], oidx_v)

    copies = []
    for j in range(N_CHUNKS):
        sl = pl.ds(j * CHUNK, CHUNK)
        copies.append(
            pltpu.async_copy(win_hbm.at[cidx_v.at[sl]], a_v.at[sl], sem_a))
        copies.append(
            pltpu.async_copy(wout_hbm.at[oidx_v.at[sl]], b_v.at[sl], sem_b))
    for cp in copies:
        cp.wait()

    lane = lax.iota(jnp.int32, LANES)
    lane16 = lane * LANES

    def group_body(g, _):
        row0 = g * LANES
        for r in range(LANES):
            row = row0 + r
            s = (a_v[row, pl.ds(0, LANES)] * b_v[row, pl.ds(0, LANES)]
                 + a_v[row, pl.ds(LANES, LANES)] * b_v[row, pl.ds(LANES, LANES)]
                 + a_v[row, pl.ds(2 * LANES, LANES)] * b_v[row, pl.ds(2 * LANES, LANES)]
                 + a_v[row, pl.ds(3 * LANES, LANES)] * b_v[row, pl.ds(3 * LANES, LANES)])
            plsc.store_scatter(tr_v, [lane16 + r], s)
        acc = tr_v[pl.ds(0, LANES)]
        for j in range(1, LANES):
            acc = acc + tr_v[pl.ds(j * LANES, LANES)]
        logit_v[pl.ds(row0, LANES)] = acc
        return 0

    lax.fori_loop(0, GROUPS, group_body, 0)

    pltpu.sync_copy(logit_v, out_hbm.at[pl.ds(base, B_PER_W)])


_sc_logits = functools.partial(
    pl.kernel,
    mesh=plsc.VectorSubcoreMesh(core_axis_name="c", subcore_axis_name="s"),
    out_type=jax.ShapeDtypeStruct((BATCH,), jnp.float32),
    scratch_types=[
        pltpu.VMEM((B_PER_W,), jnp.int32),
        pltpu.VMEM((B_PER_W,), jnp.int32),
        pltpu.VMEM((B_PER_W, DIM), jnp.float32),
        pltpu.VMEM((B_PER_W, DIM), jnp.float32),
        pltpu.VMEM((LANES * LANES,), jnp.float32),
        pltpu.VMEM((B_PER_W,), jnp.float32),
        pltpu.SemaphoreType.DMA,
        pltpu.SemaphoreType.DMA,
    ],
    compiler_params=pltpu.CompilerParams(
        needs_layout_passes=False, use_tc_tiling_on_sc=False),
)(_sc_logits_kernel)


def _bce_kernel(logits_ref, labels_ref, out_ref):
    x = logits_ref[...]
    y = labels_ref[...]
    per = jnp.maximum(x, 0.0) - x * y + jnp.log1p(jnp.exp(-jnp.abs(x)))
    out_ref[0, 0] = jnp.sum(per) / BATCH


def kernel(center_words, context_words, labels, W_in, W_out):
    logits = _sc_logits(center_words.astype(jnp.int32),
                        context_words.astype(jnp.int32), W_in, W_out)
    loss = pl.pallas_call(
        _bce_kernel,
        out_shape=jax.ShapeDtypeStruct((1, 1), jnp.float32),
        in_specs=[
            pl.BlockSpec(memory_space=pltpu.VMEM),
            pl.BlockSpec(memory_space=pltpu.VMEM),
        ],
        out_specs=pl.BlockSpec(memory_space=pltpu.SMEM),
    )(logits.reshape(128, 128), labels.reshape(128, 128))
    return loss[0, 0]

# --- scband reference (transcript-rebuilt; emitter-appended) ---
"""Pipeline reference for scband-skip-gram-fast-3435973837511 (READ-ONLY COPY).

The authoritative reference and input builder live on the scoring server;
editing this copy changes nothing except your own understanding.
"""

import jax, jax.numpy as jnp
import numpy as np

VOCAB = 1000000
DIM = 64
BATCH = 16384


def setup_inputs(seed: int = 0) -> dict:
    key = jax.random.key(seed)
    k1, k2, k3, k4, k5 = jax.random.split(key, 5)
    center_words = jax.random.randint(k1, (BATCH,), 0, VOCAB, dtype=jnp.int64 if jax.config.jax_enable_x64 else jnp.int32)
    context_words = jax.random.randint(k2, (BATCH,), 0, VOCAB, dtype=jnp.int64 if jax.config.jax_enable_x64 else jnp.int32)
    labels = jax.random.uniform(k3, (BATCH,), dtype=jnp.float32)
    bound = 0.5 / DIM
    W_in = jax.random.uniform(k4, (VOCAB, DIM), minval=-bound, maxval=bound, dtype=jnp.float32)
    W_out = jax.random.uniform(k5, (VOCAB, DIM), minval=-bound, maxval=bound, dtype=jnp.float32)
    return {"center_words": center_words, "context_words": context_words, "labels": labels, "W_in": W_in, "W_out": W_out}


def _bce_with_logits(logits, targets):
    # mean over batch of: max(x,0) - x*y + log(1 + exp(-|x|))
    per = jnp.maximum(logits, 0.0) - logits * targets + jnp.log1p(jnp.exp(-jnp.abs(logits)))
    return jnp.mean(per)


def reference(center_words, context_words, labels, W_in, W_out):
    input_embeds = jnp.take(W_in, center_words, axis=0)
    output_embeds = jnp.take(W_out, context_words, axis=0)
    dot_product = jnp.sum(input_embeds * output_embeds, axis=1)
    loss = _bce_with_logits(dot_product, labels)
    return loss

if __name__ == "__main__":
    import jax
    _d = setup_inputs()
    print(jax.jit(kernel)(*tuple(_d.values())))

</pallas_src>

<mosaic_0001>
#map = affine_map<(d0, d1) -> (0)>
#map1 = affine_map<(d0, d1) -> (0, 0)>
module attributes {stable_mosaic.version = 14 : i64} {
  func.func @_sc_logits_kernel(%arg0: i32, %arg1: i32, %arg2: memref<16384xi32, #tpu.memory_space<hbm>>, %arg3: memref<16384xi32, #tpu.memory_space<hbm>>, %arg4: memref<1000000x64xf32, #tpu.memory_space<hbm>>, %arg5: memref<1000000x64xf32, #tpu.memory_space<hbm>>, %arg6: memref<16384xf32, #tpu.memory_space<hbm>>, %arg7: memref<512xi32, #tpu.memory_space<vmem>>, %arg8: memref<512xi32, #tpu.memory_space<vmem>>, %arg9: memref<512x64xf32, #tpu.memory_space<vmem>>, %arg10: memref<512x64xf32, #tpu.memory_space<vmem>>, %arg11: memref<256xf32, #tpu.memory_space<vmem>>, %arg12: memref<512xf32, #tpu.memory_space<vmem>>, %arg13: memref<!tpu.dma_semaphore, #tpu.memory_space<semaphore_mem>>, %arg14: memref<!tpu.dma_semaphore, #tpu.memory_space<semaphore_mem>>) attributes {dimension_semantics = [#tpu.dimension_semantics<core_parallel>, #tpu.dimension_semantics<subcore_parallel>], iteration_bounds = array<i64: 2, 16>, scalar_prefetch = 0 : i64, scratch_operands = 8 : i64, tpu.core_type = #tpu.core_type<sc_vector_subcore>, window_params = [{transform_indices = #map}, {transform_indices = #map}, {transform_indices = #map1}, {transform_indices = #map1}, {transform_indices = #map}]} {
    %mul3A = arith.constant 2 : i32
    %mul3A_0 = arith.muli %arg1, %mul3A : i32
    %add3A = arith.addi %mul3A_0, %arg0 : i32
    %mul3A_1 = arith.constant 512 : i32
    %mul3A_2 = arith.muli %add3A, %mul3A_1 : i32
    "tpu.region"() ({
      %run_scoped3A = tpu.sem_alloc : memref<!tpu.dma_semaphore, #tpu.memory_space<semaphore_mem>>
      %dma_start3A_138 = tpu.memref_slice %arg2[%mul3A_2] : memref<16384xi32, #tpu.memory_space<hbm>> -> memref<512xi32, #tpu.memory_space<hbm>>
      %dma_start3A_139 = tpu.memref_slice %arg2[%mul3A_2] : memref<16384xi32, #tpu.memory_space<hbm>> -> memref<512xi32, #tpu.memory_space<hbm>>
      tpu.enqueue_dma source(%dma_start3A_139 : memref<512xi32, #tpu.memory_space<hbm>>) target(%arg7 : memref<512xi32, #tpu.memory_space<vmem>>) target_semaphore(%run_scoped3A : memref<!tpu.dma_semaphore, #tpu.memory_space<semaphore_mem>>)
      %dma_wait3A_140 = tpu.memref_slice %arg2[%mul3A_2] : memref<16384xi32, #tpu.memory_space<hbm>> -> memref<512xi32, #tpu.memory_space<hbm>>
      %dma_wait3A_141 = tpu.memref_slice %arg2[%mul3A_2] : memref<16384xi32, #tpu.memory_space<hbm>> -> memref<512xi32, #tpu.memory_space<hbm>>
      tpu.wait_dma2 semaphore(%run_scoped3A : memref<!tpu.dma_semaphore, #tpu.memory_space<semaphore_mem>>) src(%dma_wait3A_141 : memref<512xi32, #tpu.memory_space<hbm>>) dst(%arg7 : memref<512xi32, #tpu.memory_space<vmem>>)
      tpu.yield
    }) : () -> ()
    "tpu.region"() ({
      %run_scoped3A = tpu.sem_alloc : memref<!tpu.dma_semaphore, #tpu.memory_space<semaphore_mem>>
      %dma_start3A_138 = tpu.memref_slice %arg3[%mul3A_2] : memref<16384xi32, #tpu.memory_space<hbm>> -> memref<512xi32, #tpu.memory_space<hbm>>
      %dma_start3A_139 = tpu.memref_slice %arg3[%mul3A_2] : memref<16384xi32, #tpu.memory_space<hbm>> -> memref<512xi32, #tpu.memory_space<hbm>>
      tpu.enqueue_dma source(%dma_start3A_139 : memref<512xi32, #tpu.memory_space<hbm>>) target(%arg8 : memref<512xi32, #tpu.memory_space<vmem>>) target_semaphore(%run_scoped3A : memref<!tpu.dma_semaphore, #tpu.memory_space<semaphore_mem>>)
      %dma_wait3A_140 = tpu.memref_slice %arg3[%mul3A_2] : memref<16384xi32, #tpu.memory_space<hbm>> -> memref<512xi32, #tpu.memory_space<hbm>>
      %dma_wait3A_141 = tpu.memref_slice %arg3[%mul3A_2] : memref<16384xi32, #tpu.memory_space<hbm>> -> memref<512xi32, #tpu.memory_space<hbm>>
      tpu.wait_dma2 semaphore(%run_scoped3A : memref<!tpu.dma_semaphore, #tpu.memory_space<semaphore_mem>>) src(%dma_wait3A_141 : memref<512xi32, #tpu.memory_space<hbm>>) dst(%arg8 : memref<512xi32, #tpu.memory_space<vmem>>)
      tpu.yield
    }) : () -> ()
    %dma_start3A = arith.constant 0 : i32
    %dma_start3A_3 = arith.constant 0 : i32
    %dma_start3A_4 = tpu.memref_slice %arg9[%dma_start3A, %dma_start3A_3] : memref<512x64xf32, #tpu.memory_space<vmem>> -> memref<128x64xf32, #tpu.memory_space<vmem>>
    %dma_start3A_5 = arith.constant 0 : i32
    %dma_start3A_6 = tpu.memref_slice %arg7[%dma_start3A_5] : memref<512xi32, #tpu.memory_space<vmem>> -> memref<128xi32, #tpu.memory_space<vmem>>
    %dma_start3A_7 = arith.constant 0 : i32
    %dma_start3A_8 = arith.constant 0 : i32
    %dma_start3A_9 = tpu.memref_slice %arg4[%dma_start3A_7, %dma_start3A_8] : memref<1000000x64xf32, #tpu.memory_space<hbm>> -> memref<1000000x64xf32, #tpu.memory_space<hbm>>
    tpu.enqueue_indirect_dma source(%dma_start3A_9 : memref<1000000x64xf32, #tpu.memory_space<hbm>>) target(%dma_start3A_4 : memref<128x64xf32, #tpu.memory_space<vmem>>) offsets(%dma_start3A_6 : memref<128xi32, #tpu.memory_space<vmem>>) semaphore(%arg13 : memref<!tpu.dma_semaphore, #tpu.memory_space<semaphore_mem>>)
    %dma_start3A_10 = arith.constant 0 : i32
    %dma_start3A_11 = arith.constant 0 : i32
    %dma_start3A_12 = tpu.memref_slice %arg10[%dma_start3A_10, %dma_start3A_11] : memref<512x64xf32, #tpu.memory_space<vmem>> -> memref<128x64xf32, #tpu.memory_space<vmem>>
    %dma_start3A_13 = arith.constant 0 : i32
    %dma_start3A_14 = tpu.memref_slice %arg8[%dma_start3A_13] : memref<512xi32, #tpu.memory_space<vmem>> -> memref<128xi32, #tpu.memory_space<vmem>>
    %dma_start3A_15 = arith.constant 0 : i32
    %dma_start3A_16 = arith.constant 0 : i32
    %dma_start3A_17 = tpu.memref_slice %arg5[%dma_start3A_15, %dma_start3A_16] : memref<1000000x64xf32, #tpu.memory_space<hbm>> -> memref<1000000x64xf32, #tpu.memory_space<hbm>>
    tpu.enqueue_indirect_dma source(%dma_start3A_17 : memref<1000000x64xf32, #tpu.memory_space<hbm>>) target(%dma_start3A_12 : memref<128x64xf32, #tpu.memory_space<vmem>>) offsets(%dma_start3A_14 : memref<128xi32, #tpu.memory_space<vmem>>) semaphore(%arg14 : memref<!tpu.dma_semaphore, #tpu.memory_space<semaphore_mem>>)
    %dma_start3A_18 = arith.constant 128 : i32
    %dma_start3A_19 = arith.constant 0 : i32
    %dma_start3A_20 = tpu.memref_slice %arg9[%dma_start3A_18, %dma_start3A_19] : memref<512x64xf32, #tpu.memory_space<vmem>> -> memref<128x64xf32, #tpu.memory_space<vmem>>
    %dma_start3A_21 = arith.constant 128 : i32
    %dma_start3A_22 = tpu.memref_slice %arg7[%dma_start3A_21] : memref<512xi32, #tpu.memory_space<vmem>> -> memref<128xi32, #tpu.memory_space<vmem>>
    %dma_start3A_23 = arith.constant 0 : i32
    %dma_start3A_24 = arith.constant 0 : i32
    %dma_start3A_25 = tpu.memref_slice %arg4[%dma_start3A_23, %dma_start3A_24] : memref<1000000x64xf32, #tpu.memory_space<hbm>> -> memref<1000000x64xf32, #tpu.memory_space<hbm>>
    tpu.enqueue_indirect_dma source(%dma_start3A_25 : memref<1000000x64xf32, #tpu.memory_space<hbm>>) target(%dma_start3A_20 : memref<128x64xf32, #tpu.memory_space<vmem>>) offsets(%dma_start3A_22 : memref<128xi32, #tpu.memory_space<vmem>>) semaphore(%arg13 : memref<!tpu.dma_semaphore, #tpu.memory_space<semaphore_mem>>)
    %dma_start3A_26 = arith.constant 128 : i32
    %dma_start3A_27 = arith.constant 0 : i32
    %dma_start3A_28 = tpu.memref_slice %arg10[%dma_start3A_26, %dma_start3A_27] : memref<512x64xf32, #tpu.memory_space<vmem>> -> memref<128x64xf32, #tpu.memory_space<vmem>>
    %dma_start3A_29 = arith.constant 128 : i32
    %dma_start3A_30 = tpu.memref_slice %arg8[%dma_start3A_29] : memref<512xi32, #tpu.memory_space<vmem>> -> memref<128xi32, #tpu.memory_space<vmem>>
    %dma_start3A_31 = arith.constant 0 : i32
    %dma_start3A_32 = arith.constant 0 : i32
    %dma_start3A_33 = tpu.memref_slice %arg5[%dma_start3A_31, %dma_start3A_32] : memref<1000000x64xf32, #tpu.memory_space<hbm>> -> memref<1000000x64xf32, #tpu.memory_space<hbm>>
    tpu.enqueue_indirect_dma source(%dma_start3A_33 : memref<1000000x64xf32, #tpu.memory_space<hbm>>) target(%dma_start3A_28 : memref<128x64xf32, #tpu.memory_space<vmem>>) offsets(%dma_start3A_30 : memref<128xi32, #tpu.memory_space<vmem>>) semaphore(%arg14 : memref<!tpu.dma_semaphore, #tpu.memory_space<semaphore_mem>>)
    %dma_start3A_34 = arith.constant 256 : i32
    %dma_start3A_35 = arith.constant 0 : i32
    %dma_start3A_36 = tpu.memref_slice %arg9[%dma_start3A_34, %dma_start3A_35] : memref<512x64xf32, #tpu.memory_space<vmem>> -> memref<128x64xf32, #tpu.memory_space<vmem>>
    %dma_start3A_37 = arith.constant 256 : i32
    %dma_start3A_38 = tpu.memref_slice %arg7[%dma_start3A_37] : memref<512xi32, #tpu.memory_space<vmem>> -> memref<128xi32, #tpu.memory_space<vmem>>
    %dma_start3A_39 = arith.constant 0 : i32
    %dma_start3A_40 = arith.constant 0 : i32
    %dma_start3A_41 = tpu.memref_slice %arg4[%dma_start3A_39, %dma_start3A_40] : memref<1000000x64xf32, #tpu.memory_space<hbm>> -> memref<1000000x64xf32, #tpu.memory_space<hbm>>
    tpu.enqueue_indirect_dma source(%dma_start3A_41 : memref<1000000x64xf32, #tpu.memory_space<hbm>>) target(%dma_start3A_36 : memref<128x64xf32, #tpu.memory_space<vmem>>) offsets(%dma_start3A_38 : memref<128xi32, #tpu.memory_space<vmem>>) semaphore(%arg13 : memref<!tpu.dma_semaphore, #tpu.memory_space<semaphore_mem>>)
    %dma_start3A_42 = arith.constant 256 : i32
    %dma_start3A_43 = arith.constant 0 : i32
    %dma_start3A_44 = tpu.memref_slice %arg10[%dma_start3A_42, %dma_start3A_43] : memref<512x64xf32, #tpu.memory_space<vmem>> -> memref<128x64xf32, #tpu.memory_space<vmem>>
    %dma_start3A_45 = arith.constant 256 : i32
    %dma_start3A_46 = tpu.memref_slice %arg8[%dma_start3A_45] : memref<512xi32, #tpu.memory_space<vmem>> -> memref<128xi32, #tpu.memory_space<vmem>>
    %dma_start3A_47 = arith.constant 0 : i32
    %dma_start3A_48 = arith.constant 0 : i32
    %dma_start3A_49 = tpu.memref_slice %arg5[%dma_start3A_47, %dma_start3A_48] : memref<1000000x64xf32, #tpu.memory_space<hbm>> -> memref<1000000x64xf32, #tpu.memory_space<hbm>>
    tpu.enqueue_indirect_dma source(%dma_start3A_49 : memref<1000000x64xf32, #tpu.memory_space<hbm>>) target(%dma_start3A_44 : memref<128x64xf32, #tpu.memory_space<vmem>>) offsets(%dma_start3A_46 : memref<128xi32, #tpu.memory_space<vmem>>) semaphore(%arg14 : memref<!tpu.dma_semaphore, #tpu.memory_space<semaphore_mem>>)
    %dma_start3A_50 = arith.constant 384 : i32
    %dma_start3A_51 = arith.constant 0 : i32
    %dma_start3A_52 = tpu.memref_slice %arg9[%dma_start3A_50, %dma_start3A_51] : memref<512x64xf32, #tpu.memory_space<vmem>> -> memref<128x64xf32, #tpu.memory_space<vmem>>
    %dma_start3A_53 = arith.constant 384 : i32
    %dma_start3A_54 = tpu.memref_slice %arg7[%dma_start3A_53] : memref<512xi32, #tpu.memory_space<vmem>> -> memref<128xi32, #tpu.memory_space<vmem>>
    %dma_start3A_55 = arith.constant 0 : i32
    %dma_start3A_56 = arith.constant 0 : i32
    %dma_start3A_57 = tpu.memref_slice %arg4[%dma_start3A_55, %dma_start3A_56] : memref<1000000x64xf32, #tpu.memory_space<hbm>> -> memref<1000000x64xf32, #tpu.memory_space<hbm>>
    tpu.enqueue_indirect_dma source(%dma_start3A_57 : memref<1000000x64xf32, #tpu.memory_space<hbm>>) target(%dma_start3A_52 : memref<128x64xf32, #tpu.memory_space<vmem>>) offsets(%dma_start3A_54 : memref<128xi32, #tpu.memory_space<vmem>>) semaphore(%arg13 : memref<!tpu.dma_semaphore, #tpu.memory_space<semaphore_mem>>)
    %dma_start3A_58 = arith.constant 384 : i32
    %dma_start3A_59 = arith.constant 0 : i32
    %dma_start3A_60 = tpu.memref_slice %arg10[%dma_start3A_58, %dma_start3A_59] : memref<512x64xf32, #tpu.memory_space<vmem>> -> memref<128x64xf32, #tpu.memory_space<vmem>>
    %dma_start3A_61 = arith.constant 384 : i32
    %dma_start3A_62 = tpu.memref_slice %arg8[%dma_start3A_61] : memref<512xi32, #tpu.memory_space<vmem>> -> memref<128xi32, #tpu.memory_space<vmem>>
    %dma_start3A_63 = arith.constant 0 : i32
    %dma_start3A_64 = arith.constant 0 : i32
    %dma_start3A_65 = tpu.memref_slice %arg5[%dma_start3A_63, %dma_start3A_64] : memref<1000000x64xf32, #tpu.memory_space<hbm>> -> memref<1000000x64xf32, #tpu.memory_space<hbm>>
    tpu.enqueue_indirect_dma source(%dma_start3A_65 : memref<1000000x64xf32, #tpu.memory_space<hbm>>) target(%dma_start3A_60 : memref<128x64xf32, #tpu.memory_space<vmem>>) offsets(%dma_start3A_62 : memref<128xi32, #tpu.memory_space<vmem>>) semaphore(%arg14 : memref<!tpu.dma_semaphore, #tpu.memory_space<semaphore_mem>>)
    %dma_wait3A = arith.constant 0 : i32
    %dma_wait3A_66 = arith.constant 0 : i32
    %dma_wait3A_67 = tpu.memref_slice %arg9[%dma_wait3A, %dma_wait3A_66] : memref<512x64xf32, #tpu.memory_space<vmem>> -> memref<128x64xf32, #tpu.memory_space<vmem>>
    %dma_wait3A_68 = arith.constant 0 : i32
    %dma_wait3A_69 = tpu.memref_slice %arg7[%dma_wait3A_68] : memref<512xi32, #tpu.memory_space<vmem>> -> memref<128xi32, #tpu.memory_space<vmem>>
    %dma_wait3A_70 = arith.constant 0 : i32
    %dma_wait3A_71 = arith.constant 0 : i32
    %dma_wait3A_72 = tpu.memref_slice %arg4[%dma_wait3A_70, %dma_wait3A_71] : memref<1000000x64xf32, #tpu.memory_space<hbm>> -> memref<1000000x64xf32, #tpu.memory_space<hbm>>
    tpu.wait_indirect_dma semaphore(%arg13 : memref<!tpu.dma_semaphore, #tpu.memory_space<semaphore_mem>>) src(%dma_wait3A_72 : memref<1000000x64xf32, #tpu.memory_space<hbm>>) dst(%dma_wait3A_67 : memref<128x64xf32, #tpu.memory_space<vmem>>)
    %dma_wait3A_73 = arith.constant 0 : i32
    %dma_wait3A_74 = arith.constant 0 : i32
    %dma_wait3A_75 = tpu.memref_slice %arg10[%dma_wait3A_73, %dma_wait3A_74] : memref<512x64xf32, #tpu.memory_space<vmem>> -> memref<128x64xf32, #tpu.memory_space<vmem>>
    %dma_wait3A_76 = arith.constant 0 : i32
    %dma_wait3A_77 = tpu.memref_slice %arg8[%dma_wait3A_76] : memref<512xi32, #tpu.memory_space<vmem>> -> memref<128xi32, #tpu.memory_space<vmem>>
    %dma_wait3A_78 = arith.constant 0 : i32
    %dma_wait3A_79 = arith.constant 0 : i32
    %dma_wait3A_80 = tpu.memref_slice %arg5[%dma_wait3A_78, %dma_wait3A_79] : memref<1000000x64xf32, #tpu.memory_space<hbm>> -> memref<1000000x64xf32, #tpu.memory_space<hbm>>
    tpu.wait_indirect_dma semaphore(%arg14 : memref<!tpu.dma_semaphore, #tpu.memory_space<semaphore_mem>>) src(%dma_wait3A_80 : memref<1000000x64xf32, #tpu.memory_space<hbm>>) dst(%dma_wait3A_75 : memref<128x64xf32, #tpu.memory_space<vmem>>)
    %dma_wait3A_81 = arith.constant 128 : i32
    %dma_wait3A_82 = arith.constant 0 : i32
    %dma_wait3A_83 = tpu.memref_slice %arg9[%dma_wait3A_81, %dma_wait3A_82] : memref<512x64xf32, #tpu.memory_space<vmem>> -> memref<128x64xf32, #tpu.memory_space<vmem>>
    %dma_wait3A_84 = arith.constant 128 : i32
    %dma_wait3A_85 = tpu.memref_slice %arg7[%dma_wait3A_84] : memref<512xi32, #tpu.memory_space<vmem>> -> memref<128xi32, #tpu.memory_space<vmem>>
    %dma_wait3A_86 = arith.constant 0 : i32
    %dma_wait3A_87 = arith.constant 0 : i32
    %dma_wait3A_88 = tpu.memref_slice %arg4[%dma_wait3A_86, %dma_wait3A_87] : memref<1000000x64xf32, #tpu.memory_space<hbm>> -> memref<1000000x64xf32, #tpu.memory_space<hbm>>
    tpu.wait_indirect_dma semaphore(%arg13 : memref<!tpu.dma_semaphore, #tpu.memory_space<semaphore_mem>>) src(%dma_wait3A_88 : memref<1000000x64xf32, #tpu.memory_space<hbm>>) dst(%dma_wait3A_83 : memref<128x64xf32, #tpu.memory_space<vmem>>)
    %dma_wait3A_89 = arith.constant 128 : i32
    %dma_wait3A_90 = arith.constant 0 : i32
    %dma_wait3A_91 = tpu.memref_slice %arg10[%dma_wait3A_89, %dma_wait3A_90] : memref<512x64xf32, #tpu.memory_space<vmem>> -> memref<128x64xf32, #tpu.memory_space<vmem>>
    %dma_wait3A_92 = arith.constant 128 : i32
    %dma_wait3A_93 = tpu.memref_slice %arg8[%dma_wait3A_92] : memref<512xi32, #tpu.memory_space<vmem>> -> memref<128xi32, #tpu.memory_space<vmem>>
    %dma_wait3A_94 = arith.constant 0 : i32
    %dma_wait3A_95 = arith.constant 0 : i32
    %dma_wait3A_96 = tpu.memref_slice %arg5[%dma_wait3A_94, %dma_wait3A_95] : memref<1000000x64xf32, #tpu.memory_space<hbm>> -> memref<1000000x64xf32, #tpu.memory_space<hbm>>
    tpu.wait_indirect_dma semaphore(%arg14 : memref<!tpu.dma_semaphore, #tpu.memory_space<semaphore_mem>>) src(%dma_wait3A_96 : memref<1000000x64xf32, #tpu.memory_space<hbm>>) dst(%dma_wait3A_91 : memref<128x64xf32, #tpu.memory_space<vmem>>)
    %dma_wait3A_97 = arith.constant 256 : i32
    %dma_wait3A_98 = arith.constant 0 : i32
    %dma_wait3A_99 = tpu.memref_slice %arg9[%dma_wait3A_97, %dma_wait3A_98] : memref<512x64xf32, #tpu.memory_space<vmem>> -> memref<128x64xf32, #tpu.memory_space<vmem>>
    %dma_wait3A_100 = arith.constant 256 : i32
    %dma_wait3A_101 = tpu.memref_slice %arg7[%dma_wait3A_100] : memref<512xi32, #tpu.memory_space<vmem>> -> memref<128xi32, #tpu.memory_space<vmem>>
    %dma_wait3A_102 = arith.constant 0 : i32
    %dma_wait3A_103 = arith.constant 0 : i32
    %dma_wait3A_104 = tpu.memref_slice %arg4[%dma_wait3A_102, %dma_wait3A_103] : memref<1000000x64xf32, #tpu.memory_space<hbm>> -> memref<1000000x64xf32, #tpu.memory_space<hbm>>
    tpu.wait_indirect_dma semaphore(%arg13 : memref<!tpu.dma_semaphore, #tpu.memory_space<semaphore_mem>>) src(%dma_wait3A_104 : memref<1000000x64xf32, #tpu.memory_space<hbm>>) dst(%dma_wait3A_99 : memref<128x64xf32, #tpu.memory_space<vmem>>)
    %dma_wait3A_105 = arith.constant 256 : i32
    %dma_wait3A_106 = arith.constant 0 : i32
    %dma_wait3A_107 = tpu.memref_slice %arg10[%dma_wait3A_105, %dma_wait3A_106] : memref<512x64xf32, #tpu.memory_space<vmem>> -> memref<128x64xf32, #tpu.memory_space<vmem>>
    %dma_wait3A_108 = arith.constant 256 : i32
    %dma_wait3A_109 = tpu.memref_slice %arg8[%dma_wait3A_108] : memref<512xi32, #tpu.memory_space<vmem>> -> memref<128xi32, #tpu.memory_space<vmem>>
    %dma_wait3A_110 = arith.constant 0 : i32
    %dma_wait3A_111 = arith.constant 0 : i32
    %dma_wait3A_112 = tpu.memref_slice %arg5[%dma_wait3A_110, %dma_wait3A_111] : memref<1000000x64xf32, #tpu.memory_space<hbm>> -> memref<1000000x64xf32, #tpu.memory_space<hbm>>
    tpu.wait_indirect_dma semaphore(%arg14 : memref<!tpu.dma_semaphore, #tpu.memory_space<semaphore_mem>>) src(%dma_wait3A_112 : memref<1000000x64xf32, #tpu.memory_space<hbm>>) dst(%dma_wait3A_107 : memref<128x64xf32, #tpu.memory_space<vmem>>)
    %dma_wait3A_113 = arith.constant 384 : i32
    %dma_wait3A_114 = arith.constant 0 : i32
    %dma_wait3A_115 = tpu.memref_slice %arg9[%dma_wait3A_113, %dma_wait3A_114] : memref<512x64xf32, #tpu.memory_space<vmem>> -> memref<128x64xf32, #tpu.memory_space<vmem>>
    %dma_wait3A_116 = arith.constant 384 : i32
    %dma_wait3A_117 = tpu.memref_slice %arg7[%dma_wait3A_116] : memref<512xi32, #tpu.memory_space<vmem>> -> memref<128xi32, #tpu.memory_space<vmem>>
    %dma_wait3A_118 = arith.constant 0 : i32
    %dma_wait3A_119 = arith.constant 0 : i32
    %dma_wait3A_120 = tpu.memref_slice %arg4[%dma_wait3A_118, %dma_wait3A_119] : memref<1000000x64xf32, #tpu.memory_space<hbm>> -> memref<1000000x64xf32, #tpu.memory_space<hbm>>
    tpu.wait_indirect_dma semaphore(%arg13 : memref<!tpu.dma_semaphore, #tpu.memory_space<semaphore_mem>>) src(%dma_wait3A_120 : memref<1000000x64xf32, #tpu.memory_space<hbm>>) dst(%dma_wait3A_115 : memref<128x64xf32, #tpu.memory_space<vmem>>)
    %dma_wait3A_121 = arith.constant 384 : i32
    %dma_wait3A_122 = arith.constant 0 : i32
    %dma_wait3A_123 = tpu.memref_slice %arg10[%dma_wait3A_121, %dma_wait3A_122] : memref<512x64xf32, #tpu.memory_space<vmem>> -> memref<128x64xf32, #tpu.memory_space<vmem>>
    %dma_wait3A_124 = arith.constant 384 : i32
    %dma_wait3A_125 = tpu.memref_slice %arg8[%dma_wait3A_124] : memref<512xi32, #tpu.memory_space<vmem>> -> memref<128xi32, #tpu.memory_space<vmem>>
    %dma_wait3A_126 = arith.constant 0 : i32
    %dma_wait3A_127 = arith.constant 0 : i32
    %dma_wait3A_128 = tpu.memref_slice %arg5[%dma_wait3A_126, %dma_wait3A_127] : memref<1000000x64xf32, #tpu.memory_space<hbm>> -> memref<1000000x64xf32, #tpu.memory_space<hbm>>
    tpu.wait_indirect_dma semaphore(%arg14 : memref<!tpu.dma_semaphore, #tpu.memory_space<semaphore_mem>>) src(%dma_wait3A_128 : memref<1000000x64xf32, #tpu.memory_space<hbm>>) dst(%dma_wait3A_123 : memref<128x64xf32, #tpu.memory_space<vmem>>)
    %iota3A = tpu.iota {dimensions = array<i32: 0>} : vector<16xi32>
    %mul3A_129 = arith.constant 16 : i32
    %mul3A_130 = vector.broadcast %mul3A_129 : i32 to vector<16xi32>
    %mul3A_131 = arith.muli %iota3A, %mul3A_130 : vector<16xi32>
    %scan3A = arith.constant 0 : i32
    %scan3A_132 = arith.constant 0 : i32
    %scan3A_133 = arith.constant 32 : i32
    %scan3A_134 = arith.addi %scan3A_132, %scan3A_133 : i32
    %scan3A_135 = arith.constant 1 : i32
    %scan3A_136 = scf.for %scan3A_138 = %scan3A_132 to %scan3A_134 step %scan3A_135 iter_args(%scan3A_139 = %scan3A) -> (i32)  : i32 {
      %mul3A_140 = arith.constant 16 : i32
      %mul3A_141 = arith.muli %scan3A_138, %mul3A_140 : i32
      %add3A_142 = arith.constant 0 : i32
      %add3A_143 = arith.addi %mul3A_141, %add3A_142 : i32
      %get3A = arith.index_cast %add3A_143 : i32 to index
      %get3A_144 = arith.constant 0 : index
      %get3A_145 = tpu.vector_load %arg9[%get3A, %get3A_144] {strides = array<i32>} : memref<512x64xf32, #tpu.memory_space<vmem>>, vector<16xf32>,
      %get3A_146 = arith.index_cast %add3A_143 : i32 to index
      %get3A_147 = arith.constant 0 : index
      %get3A_148 = tpu.vector_load %arg10[%get3A_146, %get3A_147] {strides = array<i32>} : memref<512x64xf32, #tpu.memory_space<vmem>>, vector<16xf32>,
      %mul3A_149 = arith.mulf %get3A_145, %get3A_148 : vector<16xf32>
      %get3A_150 = arith.index_cast %add3A_143 : i32 to index
      %get3A_151 = arith.constant 16 : index
      %get3A_152 = tpu.vector_load %arg9[%get3A_150, %get3A_151] {strides = array<i32>} : memref<512x64xf32, #tpu.memory_space<vmem>>, vector<16xf32>,
      %get3A_153 = arith.index_cast %add3A_143 : i32 to index
      %get3A_154 = arith.constant 16 : index
      %get3A_155 = tpu.vector_load %arg10[%get3A_153, %get3A_154] {strides = array<i32>} : memref<512x64xf32, #tpu.memory_space<vmem>>, vector<16xf32>,
      %mul3A_156 = arith.mulf %get3A_152, %get3A_155 : vector<16xf32>
      %add3A_157 = arith.addf %mul3A_149, %mul3A_156 : vector<16xf32>
      %get3A_158 = arith.index_cast %add3A_143 : i32 to index
      %get3A_159 = arith.constant 32 : index
      %get3A_160 = tpu.vector_load %arg9[%get3A_158, %get3A_159] {strides = array<i32>} : memref<512x64xf32, #tpu.memory_space<vmem>>, vector<16xf32>,
      %get3A_161 = arith.index_cast %add3A_143 : i32 to index
      %get3A_162 = arith.constant 32 : index
      %get3A_163 = tpu.vector_load %arg10[%get3A_161, %get3A_162] {strides = array<i32>} : memref<512x64xf32, #tpu.memory_space<vmem>>, vector<16xf32>,
      %mul3A_164 = arith.mulf %get3A_160, %get3A_163 : vector<16xf32>
      %add3A_165 = arith.addf %add3A_157, %mul3A_164 : vector<16xf32>
      %get3A_166 = arith.index_cast %add3A_143 : i32 to index
      %get3A_167 = arith.constant 48 : index
      %get3A_168 = tpu.vector_load %arg9[%get3A_166, %get3A_167] {strides = array<i32>} : memref<512x64xf32, #tpu.memory_space<vmem>>, vector<16xf32>,
      %get3A_169 = arith.index_cast %add3A_143 : i32 to index
      %get3A_170 = arith.constant 48 : index
      %get3A_171 = tpu.vector_load %arg10[%get3A_169, %get3A_170] {strides = array<i32>} : memref<512x64xf32, #tpu.memory_space<vmem>>, vector<16xf32>,
      %mul3A_172 = arith.mulf %get3A_168, %get3A_171 : vector<16xf32>
      %add3A_173 = arith.addf %add3A_165, %mul3A_172 : vector<16xf32>
      %add3A_174 = arith.constant 0 : i32
      %add3A_175 = vector.broadcast %add3A_174 : i32 to vector<16xi32>
      %add3A_176 = arith.addi %mul3A_131, %add3A_175 : vector<16xi32>
      tpu.vector_store_idx %arg11[%add3A_176], %add3A_173 : memref<256xf32, #tpu.memory_space<vmem>>[vector<16xi32>], vector<16xf32>,
      %add3A_177 = arith.constant 1 : i32
      %add3A_178 = arith.addi %mul3A_141, %add3A_177 : i32
      %get3A_179 = arith.index_cast %add3A_178 : i32 to index
      %get3A_180 = arith.constant 0 : index
      %get3A_181 = tpu.vector_load %arg9[%get3A_179, %get3A_180] {strides = array<i32>} : memref<512x64xf32, #tpu.memory_space<vmem>>, vector<16xf32>,
      %get3A_182 = arith.index_cast %add3A_178 : i32 to index
      %get3A_183 = arith.constant 0 : index
      %get3A_184 = tpu.vector_load %arg10[%get3A_182, %get3A_183] {strides = array<i32>} : memref<512x64xf32, #tpu.memory_space<vmem>>, vector<16xf32>,
      %mul3A_185 = arith.mulf %get3A_181, %get3A_184 : vector<16xf32>
      %get3A_186 = arith.index_cast %add3A_178 : i32 to index
      %get3A_187 = arith.constant 16 : index
      %get3A_188 = tpu.vector_load %arg9[%get3A_186, %get3A_187] {strides = array<i32>} : memref<512x64xf32, #tpu.memory_space<vmem>>, vector<16xf32>,
      %get3A_189 = arith.index_cast %add3A_178 : i32 to index
      %get3A_190 = arith.constant 16 : index
      %get3A_191 = tpu.vector_load %arg10[%get3A_189, %get3A_190] {strides = array<i32>} : memref<512x64xf32, #tpu.memory_space<vmem>>, vector<16xf32>,
      %mul3A_192 = arith.mulf %get3A_188, %get3A_191 : vector<16xf32>
      %add3A_193 = arith.addf %mul3A_185, %mul3A_192 : vector<16xf32>
      %get3A_194 = arith.index_cast %add3A_178 : i32 to index
      %get3A_195 = arith.constant 32 : index
      %get3A_196 = tpu.vector_load %arg9[%get3A_194, %get3A_195] {strides = array<i32>} : memref<512x64xf32, #tpu.memory_space<vmem>>, vector<16xf32>,
      %get3A_197 = arith.index_cast %add3A_178 : i32 to index
      %get3A_198 = arith.constant 32 : index
      %get3A_199 = tpu.vector_load %arg10[%get3A_197, %get3A_198] {strides = array<i32>} : memref<512x64xf32, #tpu.memory_space<vmem>>, vector<16xf32>,
      %mul3A_200 = arith.mulf %get3A_196, %get3A_199 : vector<16xf32>
      %add3A_201 = arith.addf %add3A_193, %mul3A_200 : vector<16xf32>
      %get3A_202 = arith.index_cast %add3A_178 : i32 to index
      %get3A_203 = arith.constant 48 : index
      %get3A_204 = tpu.vector_load %arg9[%get3A_202, %get3A_203] {strides = array<i32>} : memref<512x64xf32, #tpu.memory_space<vmem>>, vector<16xf32>,
      %get3A_205 = arith.index_cast %add3A_178 : i32 to index
      %get3A_206 = arith.constant 48 : index
      %get3A_207 = tpu.vector_load %arg10[%get3A_205, %get3A_206] {strides = array<i32>} : memref<512x64xf32, #tpu.memory_space<vmem>>, vector<16xf32>,
      %mul3A_208 = arith.mulf %get3A_204, %get3A_207 : vector<16xf32>
      %add3A_209 = arith.addf %add3A_201, %mul3A_208 : vector<16xf32>
      %add3A_210 = arith.constant 1 : i32
      %add3A_211 = vector.broadcast %add3A_210 : i32 to vector<16xi32>
      %add3A_212 = arith.addi %mul3A_131, %add3A_211 : vector<16xi32>
      tpu.vector_store_idx %arg11[%add3A_212], %add3A_209 : memref<256xf32, #tpu.memory_space<vmem>>[vector<16xi32>], vector<16xf32>,
      %add3A_213 = arith.constant 2 : i32
      %add3A_214 = arith.addi %mul3A_141, %add3A_213 : i32
      %get3A_215 = arith.index_cast %add3A_214 : i32 to index
      %get3A_216 = arith.constant 0 : index
      %get3A_217 = tpu.vector_load %arg9[%get3A_215, %get3A_216] {strides = array<i32>} : memref<512x64xf32, #tpu.memory_space<vmem>>, vector<16xf32>,
      %get3A_218 = arith.index_cast %add3A_214 : i32 to index
      %get3A_219 = arith.constant 0 : index
      %get3A_220 = tpu.vector_load %arg10[%get3A_218, %get3A_219] {strides = array<i32>} : memref<512x64xf32, #tpu.memory_space<vmem>>, vector<16xf32>,
      %mul3A_221 = arith.mulf %get3A_217, %get3A_220 : vector<16xf32>
      %get3A_222 = arith.index_cast %add3A_214 : i32 to index
      %get3A_223 = arith.constant 16 : index
      %get3A_224 = tpu.vector_load %arg9[%get3A_222, %get3A_223] {strides = array<i32>} : memref<512x64xf32, #tpu.memory_space<vmem>>, vector<16xf32>,
      %get3A_225 = arith.index_cast %add3A_214 : i32 to index
      %get3A_226 = arith.constant 16 : index
      %get3A_227 = tpu.vector_load %arg10[%get3A_225, %get3A_226] {strides = array<i32>} : memref<512x64xf32, #tpu.memory_space<vmem>>, vector<16xf32>,
      %mul3A_228 = arith.mulf %get3A_224, %get3A_227 : vector<16xf32>
      %add3A_229 = arith.addf %mul3A_221, %mul3A_228 : vector<16xf32>
      %get3A_230 = arith.index_cast %add3A_214 : i32 to index
      %get3A_231 = arith.constant 32 : index
      %get3A_232 = tpu.vector_load %arg9[%get3A_230, %get3A_231] {strides = array<i32>} : memref<512x64xf32, #tpu.memory_space<vmem>>, vector<16xf32>,
      %get3A_233 = arith.index_cast %add3A_214 : i32 to index
      %get3A_234 = arith.constant 32 : index
      %get3A_235 = tpu.vector_load %arg10[%get3A_233, %get3A_234] {strides = array<i32>} : memref<512x64xf32, #tpu.memory_space<vmem>>, vector<16xf32>,
      %mul3A_236 = arith.mulf %get3A_232, %get3A_235 : vector<16xf32>
      %add3A_237 = arith.addf %add3A_229, %mul3A_236 : vector<16xf32>
      %get3A_238 = arith.index_cast %add3A_214 : i32 to index
      %get3A_239 = arith.constant 48 : index
      %get3A_240 = tpu.vector_load %arg9[%get3A_238, %get3A_239] {strides = array<i32>} : memref<512x64xf32, #tpu.memory_space<vmem>>, vector<16xf32>,
      %get3A_241 = arith.index_cast %add3A_214 : i32 to index
      %get3A_242 = arith.constant 48 : index
      %get3A_243 = tpu.vector_load %arg10[%get3A_241, %get3A_242] {strides = array<i32>} : memref<512x64xf32, #tpu.memory_space<vmem>>, vector<16xf32>,
      %mul3A_244 = arith.mulf %get3A_240, %get3A_243 : vector<16xf32>
      %add3A_245 = arith.addf %add3A_237, %mul3A_244 : vector<16xf32>
      %add3A_246 = arith.constant 2 : i32
      %add3A_247 = vector.broadcast %add3A_246 : i32 to vector<16xi32>
      %add3A_248 = arith.addi %mul3A_131, %add3A_247 : vector<16xi32>
      tpu.vector_store_idx %arg11[%add3A_248], %add3A_245 : memref<256xf32, #tpu.memory_space<vmem>>[vector<16xi32>], vector<16xf32>,
      %add3A_249 = arith.constant 3 : i32
      %add3A_250 = arith.addi %mul3A_141, %add3A_249 : i32
      %get3A_251 = arith.index_cast %add3A_250 : i32 to index
      %get3A_252 = arith.constant 0 : index
      %get3A_253 = tpu.vector_load %arg9[%get3A_251, %get3A_252] {strides = array<i32>} : memref<512x64xf32, #tpu.memory_space<vmem>>, vector<16xf32>,
      %get3A_254 = arith.index_cast %add3A_250 : i32 to index
      %get3A_255 = arith.constant 0 : index
      %get3A_256 = tpu.vector_load %arg10[%get3A_254, %get3A_255] {strides = array<i32>} : memref<512x64xf32, #tpu.memory_space<vmem>>, vector<16xf32>,
      %mul3A_257 = arith.mulf %get3A_253, %get3A_256 : vector<16xf32>
      %get3A_258 = arith.index_cast %add3A_250 : i32 to index
      %get3A_259 = arith.constant 16 : index
      %get3A_260 = tpu.vector_load %arg9[%get3A_258, %get3A_259] {strides = array<i32>} : memref<512x64xf32, #tpu.memory_space<vmem>>, vector<16xf32>,
      %get3A_261 = arith.index_cast %add3A_250 : i32 to index
      %get3A_262 = arith.constant 16 : index
      %get3A_263 = tpu.vector_load %arg10[%get3A_261, %get3A_262] {strides = array<i32>} : memref<512x64xf32, #tpu.memory_space<vmem>>, vector<16xf32>,
      %mul3A_264 = arith.mulf %get3A_260, %get3A_263 : vector<16xf32>
      %add3A_265 = arith.addf %mul3A_257, %mul3A_264 : vector<16xf32>
      %get3A_266 = arith.index_cast %add3A_250 : i32 to index
      %get3A_267 = arith.constant 32 : index
      %get3A_268 = tpu.vector_load %arg9[%get3A_266, %get3A_267] {strides = array<i32>} : memref<512x64xf32, #tpu.memory_space<vmem>>, vector<16xf32>,
      %get3A_269 = arith.index_cast %add3A_250 : i32 to index
      %get3A_270 = arith.constant 32 : index
      %get3A_271 = tpu.vector_load %arg10[%get3A_269, %get3A_270] {strides = array<i32>} : memref<512x64xf32, #tpu.memory_space<vmem>>, vector<16xf32>,
      %mul3A_272 = arith.mulf %get3A_268, %get3A_271 : vector<16xf32>
      %add3A_273 = arith.addf %add3A_265, %mul3A_272 : vector<16xf32>
      %get3A_274 = arith.index_cast %add3A_250 : i32 to index
      %get3A_275 = arith.constant 48 : index
      %get3A_276 = tpu.vector_load %arg9[%get3A_274, %get3A_275] {strides = array<i32>} : memref<512x64xf32, #tpu.memory_space<vmem>>, vector<16xf32>,
      %get3A_277 = arith.index_cast %add3A_250 : i32 to index
      %get3A_278 = arith.constant 48 : index
      %get3A_279 = tpu.vector_load %arg10[%get3A_277, %get3A_278] {strides = array<i32>} : memref<512x64xf32, #tpu.memory_space<vmem>>, vector<16xf32>,
      %mul3A_280 = arith.mulf %get3A_276, %get3A_279 : vector<16xf32>
      %add3A_281 = arith.addf %add3A_273, %mul3A_280 : vector<16xf32>
      %add3A_282 = arith.constant 3 : i32
      %add3A_283 = vector.broadcast %add3A_282 : i32 to vector<16xi32>
      %add3A_284 = arith.addi %mul3A_131, %add3A_283 : vector<16xi32>
      tpu.vector_store_idx %arg11[%add3A_284], %add3A_281 : memref<256xf32, #tpu.memory_space<vmem>>[vector<16xi32>], vector<16xf32>,
      %add3A_285 = arith.constant 4 : i32
      %add3A_286 = arith.addi %mul3A_141, %add3A_285 : i32
      %get3A_287 = arith.index_cast %add3A_286 : i32 to index
      %get3A_288 = arith.constant 0 : index
      %get3A_289 = tpu.vector_load %arg9[%get3A_287, %get3A_288] {strides = array<i32>} : memref<512x64xf32, #tpu.memory_space<vmem>>, vector<16xf32>,
      %get3A_290 = arith.index_cast %add3A_286 : i32 to index
      %get3A_291 = arith.constant 0 : index
      %get3A_292 = tpu.vector_load %arg10[%get3A_290, %get3A_291] {strides = array<i32>} : memref<512x64xf32, #tpu.memory_space<vmem>>, vector<16xf32>,
      %mul3A_293 = arith.mulf %get3A_289, %get3A_292 : vector<16xf32>
      %get3A_294 = arith.index_cast %add3A_286 : i32 to index
      %get3A_295 = arith.constant 16 : index
      %get3A_296 = tpu.vector_load %arg9[%get3A_294, %get3A_295] {strides = array<i32>} : memref<512x64xf32, #tpu.memory_space<vmem>>, vector<16xf32>,
      %get3A_297 = arith.index_cast %add3A_286 : i32 to index
      %get3A_298 = arith.constant 16 : index
      %get3A_299 = tpu.vector_load %arg10[%get3A_297, %get3A_298] {strides = array<i32>} : memref<512x64xf32, #tpu.memory_space<vmem>>, vector<16xf32>,
      %mul3A_300 = arith.mulf %get3A_296, %get3A_299 : vector<16xf32>
      %add3A_301 = arith.addf %mul3A_293, %mul3A_300 : vector<16xf32>
      %get3A_302 = arith.index_cast %add3A_286 : i32 to index
      %get3A_303 = arith.constant 32 : index
      %get3A_304 = tpu.vector_load %arg9[%get3A_302, %get3A_303] {strides = array<i32>} : memref<512x64xf32, #tpu.memory_space<vmem>>, vector<16xf32>,
      %get3A_305 = arith.index_cast %add3A_286 : i32 to index
      %get3A_306 = arith.constant 32 : index
      %get3A_307 = tpu.vector_load %arg10[%get3A_305, %get3A_306] {strides = array<i32>} : memref<512x64xf32, #tpu.memory_space<vmem>>, vector<16xf32>,
      %mul3A_308 = arith.mulf %get3A_304, %get3A_307 : vector<16xf32>
      %add3A_309 = arith.addf %add3A_301, %mul3A_308 : vector<16xf32>
      %get3A_310 = arith.index_cast %add3A_286 : i32 to index
      %get3A_311 = arith.constant 48 : index
      %get3A_312 = tpu.vector_load %arg9[%get3A_310, %get3A_311] {strides = array<i32>} : memref<512x64xf32, #tpu.memory_space<vmem>>, vector<16xf32>,
      %get3A_313 = arith.index_cast %add3A_286 : i32 to index
      %get3A_314 = arith.constant 48 : index
      %get3A_315 = tpu.vector_load %arg10[%get3A_313, %get3A_314] {strides = array<i32>} : memref<512x64xf32, #tpu.memory_space<vmem>>, vector<16xf32>,
      %mul3A_316 = arith.mulf %get3A_312, %get3A_315 : vector<16xf32>
      %add3A_317 = arith.addf %add3A_309, %mul3A_316 : vector<16xf32>
      %add3A_318 = arith.constant 4 : i32
      %add3A_319 = vector.broadcast %add3A_318 : i32 to vector<16xi32>
      %add3A_320 = arith.addi %mul3A_131, %add3A_319 : vector<16xi32>
      tpu.vector_store_idx %arg11[%add3A_320], %add3A_317 : memref<256xf32, #tpu.memory_space<vmem>>[vector<16xi32>], vector<16xf32>,
      %add3A_321 = arith.constant 5 : i32
      %add3A_322 = arith.addi %mul3A_141, %add3A_321 : i32
      %get3A_323 = arith.index_cast %add3A_322 : i32 to index
      %get3A_324 = arith.constant 0 : index
      %get3A_325 = tpu.vector_load %arg9[%get3A_323, %get3A_324] {strides = array<i32>} : memref<512x64xf32, #tpu.memory_space<vmem>>, vector<16xf32>,
      %get3A_326 = arith.index_cast %add3A_322 : i32 to index
      %get3A_327 = arith.constant 0 : index
      %get3A_328 = tpu.vector_load %arg10[%get3A_326, %get3A_327] {strides = array<i32>} : memref<512x64xf32, #tpu.memory_space<vmem>>, vector<16xf32>,
      %mul3A_329 = arith.mulf %get3A_325, %get3A_328 : vector<16xf32>
      %get3A_330 = arith.index_cast %add3A_322 : i32 to index
      %get3A_331 = arith.constant 16 : index
      %get3A_332 = tpu.vector_load %arg9[%get3A_330, %get3A_331] {strides = array<i32>} : memref<512x64xf32, #tpu.memory_space<vmem>>, vector<16xf32>,
      %get3A_333 = arith.index_cast %add3A_322 : i32 to index
      %get3A_334 = arith.constant 16 : index
      %get3A_335 = tpu.vector_load %arg10[%get3A_333, %get3A_334] {strides = array<i32>} : memref<512x64xf32, #tpu.memory_space<vmem>>, vector<16xf32>,
      %mul3A_336 = arith.mulf %get3A_332, %get3A_335 : vector<16xf32>
      %add3A_337 = arith.addf %mul3A_329, %mul3A_336 : vector<16xf32>
      %get3A_338 = arith.index_cast %add3A_322 : i32 to index
      %get3A_339 = arith.constant 32 : index
      %get3A_340 = tpu.vector_load %arg9[%get3A_338, %get3A_339] {strides = array<i32>} : memref<512x64xf32, #tpu.memory_space<vmem>>, vector<16xf32>,
      %get3A_341 = arith.index_cast %add3A_322 : i32 to index
      %get3A_342 = arith.constant 32 : index
      %get3A_343 = tpu.vector_load %arg10[%get3A_341, %get3A_342] {strides = array<i32>} : memref<512x64xf32, #tpu.memory_space<vmem>>, vector<16xf32>,
      %mul3A_344 = arith.mulf %get3A_340, %get3A_343 : vector<16xf32>
      %add3A_345 = arith.addf %add3A_337, %mul3A_344 : vector<16xf32>
      %get3A_346 = arith.index_cast %add3A_322 : i32 to index
      %get3A_347 = arith.constant 48 : index
      %get3A_348 = tpu.vector_load %arg9[%get3A_346, %get3A_347] {strides = array<i32>} : memref<512x64xf32, #tpu.memory_space<vmem>>, vector<16xf32>,
      %get3A_349 = arith.index_cast %add3A_322 : i32 to index
      %get3A_350 = arith.constant 48 : index
      %get3A_351 = tpu.vector_load %arg10[%get3A_349, %get3A_350] {strides = array<i32>} : memref<512x64xf32, #tpu.memory_space<vmem>>, vector<16xf32>,
      %mul3A_352 = arith.mulf %get3A_348, %get3A_351 : vector<16xf32>
      %add3A_353 = arith.addf %add3A_345, %mul3A_352 : vector<16xf32>
      %add3A_354 = arith.constant 5 : i32
      %add3A_355 = vector.broadcast %add3A_354 : i32 to vector<16xi32>
      %add3A_356 = arith.addi %mul3A_131, %add3A_355 : vector<16xi32>
      tpu.vector_store_idx %arg11[%add3A_356], %add3A_353 : memref<256xf32, #tpu.memory_space<vmem>>[vector<16xi32>], vector<16xf32>,
      %add3A_357 = arith.constant 6 : i32
      %add3A_358 = arith.addi %mul3A_141, %add3A_357 : i32
      %get3A_359 = arith.index_cast %add3A_358 : i32 to index
      %get3A_360 = arith.constant 0 : index
      %get3A_361 = tpu.vector_load %arg9[%get3A_359, %get3A_360] {strides = array<i32>} : memref<512x64xf32, #tpu.memory_space<vmem>>, vector<16xf32>,
      %get3A_362 = arith.index_cast %add3A_358 : i32 to index
      %get3A_363 = arith.constant 0 : index
      %get3A_364 = tpu.vector_load %arg10[%get3A_362, %get3A_363] {strides = array<i32>} : memref<512x64xf32, #tpu.memory_space<vmem>>, vector<16xf32>,
      %mul3A_365 = arith.mulf %get3A_361, %get3A_364 : vector<16xf32>
      %get3A_366 = arith.index_cast %add3A_358 : i32 to index
      %get3A_367 = arith.constant 16 : index
      %get3A_368 = tpu.vector_load %arg9[%get3A_366, %get3A_367] {strides = array<i32>} : memref<512x64xf32, #tpu.memory_space<vmem>>, vector<16xf32>,
      %get3A_369 = arith.index_cast %add3A_358 : i32 to index
      %get3A_370 = arith.constant 16 : index
      %get3A_371 = tpu.vector_load %arg10[%get3A_369, %get3A_370] {strides = array<i32>} : memref<512x64xf32, #tpu.memory_space<vmem>>, vector<16xf32>,
      %mul3A_372 = arith.mulf %get3A_368, %get3A_371 : vector<16xf32>
      %add3A_373 = arith.addf %mul3A_365, %mul3A_372 : vector<16xf32>
      %get3A_374 = arith.index_cast %add3A_358 : i32 to index
      %get3A_375 = arith.constant 32 : index
      %get3A_376 = tpu.vector_load %arg9[%get3A_374, %get3A_375] {strides = array<i32>} : memref<512x64xf32, #tpu.memory_space<vmem>>, vector<16xf32>,
      %get3A_377 = arith.index_cast %add3A_358 : i32 to index
      %get3A_378 = arith.constant 32 : index
      %get3A_379 = tpu.vector_load %arg10[%get3A_377, %get3A_378] {strides = array<i32>} : memref<512x64xf32, #tpu.memory_space<vmem>>, vector<16xf32>,
      %mul3A_380 = arith.mulf %get3A_376, %get3A_379 : vector<16xf32>
      %add3A_381 = arith.addf %add3A_373, %mul3A_380 : vector<16xf32>
      %get3A_382 = arith.index_cast %add3A_358 : i32 to index
      %get3A_383 = arith.constant 48 : index
      %get3A_384 = tpu.vector_load %arg9[%get3A_382, %get3A_383] {strides = array<i32>} : memref<512x64xf32, #tpu.memory_space<vmem>>, vector<16xf32>,
      %get3A_385 = arith.index_cast %add3A_358 : i32 to index
      %get3A_386 = arith.constant 48 : index
      %get3A_387 = tpu.vector_load %arg10[%get3A_385, %get3A_386] {strides = array<i32>} : memref<512x64xf32, #tpu.memory_space<vmem>>, vector<16xf32>,
      %mul3A_388 = arith.mulf %get3A_384, %get3A_387 : vector<16xf32>
      %add3A_389 = arith.addf %add3A_381, %mul3A_388 : vector<16xf32>
      %add3A_390 = arith.constant 6 : i32
      %add3A_391 = vector.broadcast %add3A_390 : i32 to vector<16xi32>
      %add3A_392 = arith.addi %mul3A_131, %add3A_391 : vector<16xi32>
      tpu.vector_store_idx %arg11[%add3A_392], %add3A_389 : memref<256xf32, #tpu.memory_space<vmem>>[vector<16xi32>], vector<16xf32>,
      %add3A_393 = arith.constant 7 : i32
      %add3A_394 = arith.addi %mul3A_141, %add3A_393 : i32
      %get3A_395 = arith.index_cast %add3A_394 : i32 to index
      %get3A_396 = arith.constant 0 : index
      %get3A_397 = tpu.vector_load %arg9[%get3A_395, %get3A_396] {strides = array<i32>} : memref<512x64xf32, #tpu.memory_space<vmem>>, vector<16xf32>,
      %get3A_398 = arith.index_cast %add3A_394 : i32 to index
      %get3A_399 = arith.constant 0 : index
      %get3A_400 = tpu.vector_load %arg10[%get3A_398, %get3A_399] {strides = array<i32>} : memref<512x64xf32, #tpu.memory_space<vmem>>, vector<16xf32>,
      %mul3A_401 = arith.mulf %get3A_397, %get3A_400 : vector<16xf32>
      %get3A_402 = arith.index_cast %add3A_394 : i32 to index
      %get3A_403 = arith.constant 16 : index
      %get3A_404 = tpu.vector_load %arg9[%get3A_402, %get3A_403] {strides = array<i32>} : memref<512x64xf32, #tpu.memory_space<vmem>>, vector<16xf32>,
      %get3A_405 = arith.index_cast %add3A_394 : i32 to index
      %get3A_406 = arith.constant 16 : index
      %get3A_407 = tpu.vector_load %arg10[%get3A_405, %get3A_406] {strides = array<i32>} : memref<512x64xf32, #tpu.memory_space<vmem>>, vector<16xf32>,
      %mul3A_408 = arith.mulf %get3A_404, %get3A_407 : vector<16xf32>
      %add3A_409 = arith.addf %mul3A_401, %mul3A_408 : vector<16xf32>
      %get3A_410 = arith.index_cast %add3A_394 : i32 to index
      %get3A_411 = arith.constant 32 : index
      %get3A_412 = tpu.vector_load %arg9[%get3A_410, %get3A_411] {strides = array<i32>} : memref<512x64xf32, #tpu.memory_space<vmem>>, vector<16xf32>,
      %get3A_413 = arith.index_cast %add3A_394 : i32 to index
      %get3A_414 = arith.constant 32 : index
      %get3A_415 = tpu.vector_load %arg10[%get3A_413, %get3A_414] {strides = array<i32>} : memref<512x64xf32, #tpu.memory_space<vmem>>, vector<16xf32>,
      %mul3A_416 = arith.mulf %get3A_412, %get3A_415 : vector<16xf32>
      %add3A_417 = arith.addf %add3A_409, %mul3A_416 : vector<16xf32>
      %get3A_418 = arith.index_cast %add3A_394 : i32 to index
      %get3A_419 = arith.constant 48 : index
      %get3A_420 = tpu.vector_load %arg9[%get3A_418, %get3A_419] {strides = array<i32>} : memref<512x64xf32, #tpu.memory_space<vmem>>, vector<16xf32>,
      %get3A_421 = arith.index_cast %add3A_394 : i32 to index
      %get3A_422 = arith.constant 48 : index
      %get3A_423 = tpu.vector_load %arg10[%get3A_421, %get3A_422] {strides = array<i32>} : memref<512x64xf32, #tpu.memory_space<vmem>>, vector<16xf32>,
      %mul3A_424 = arith.mulf %get3A_420, %get3A_423 : vector<16xf32>
      %add3A_425 = arith.addf %add3A_417, %mul3A_424 : vector<16xf32>
      %add3A_426 = arith.constant 7 : i32
      %add3A_427 = vector.broadcast %add3A_426 : i32 to vector<16xi32>
      %add3A_428 = arith.addi %mul3A_131, %add3A_427 : vector<16xi32>
      tpu.vector_store_idx %arg11[%add3A_428], %add3A_425 : memref<256xf32, #tpu.memory_space<vmem>>[vector<16xi32>], vector<16xf32>,
      %add3A_429 = arith.constant 8 : i32
      %add3A_430 = arith.addi %mul3A_141, %add3A_429 : i32
      %get3A_431 = arith.index_cast %add3A_430 : i32 to index
      %get3A_432 = arith.constant 0 : index
      %get3A_433 = tpu.vector_load %arg9[%get3A_431, %get3A_432] {strides = array<i32>} : memref<512x64xf32, #tpu.memory_space<vmem>>, vector<16xf32>,
      %get3A_434 = arith.index_cast %add3A_430 : i32 to index
      %get3A_435 = arith.constant 0 : index
      %get3A_436 = tpu.vector_load %arg10[%get3A_434, %get3A_435] {strides = array<i32>} : memref<512x64xf32, #tpu.memory_space<vmem>>, vector<16xf32>,
      %mul3A_437 = arith.mulf %get3A_433, %get3A_436 : vector<16xf32>
      %get3A_438 = arith.index_cast %add3A_430 : i32 to index
      %get3A_439 = arith.constant 16 : index
      %get3A_440 = tpu.vector_load %arg9[%get3A_438, %get3A_439] {strides = array<i32>} : memref<512x64xf32, #tpu.memory_space<vmem>>, vector<16xf32>,
      %get3A_441 = arith.index_cast %add3A_430 : i32 to index
      %get3A_442 = arith.constant 16 : index
      %get3A_443 = tpu.vector_load %arg10[%get3A_441, %get3A_442] {strides = array<i32>} : memref<512x64xf32, #tpu.memory_space<vmem>>, vector<16xf32>,
      %mul3A_444 = arith.mulf %get3A_440, %get3A_443 : vector<16xf32>
      %add3A_445 = arith.addf %mul3A_437, %mul3A_444 : vector<16xf32>
      %get3A_446 = arith.index_cast %add3A_430 : i32 to index
      %get3A_447 = arith.constant 32 : index
      %get3A_448 = tpu.vector_load %arg9[%get3A_446, %get3A_447] {strides = array<i32>} : memref<512x64xf32, #tpu.memory_space<vmem>>, vector<16xf32>,
      %get3A_449 = arith.index_cast %add3A_430 : i32 to index
      %get3A_450 = arith.constant 32 : index
      %get3A_451 = tpu.vector_load %arg10[%get3A_449, %get3A_450] {strides = array<i32>} : memref<512x64xf32, #tpu.memory_space<vmem>>, vector<16xf32>,
      %mul3A_452 = arith.mulf %get3A_448, %get3A_451 : vector<16xf32>
      %add3A_453 = arith.addf %add3A_445, %mul3A_452 : vector<16xf32>
      %get3A_454 = arith.index_cast %add3A_430 : i32 to index
      %get3A_455 = arith.constant 48 : index
      %get3A_456 = tpu.vector_load %arg9[%get3A_454, %get3A_455] {strides = array<i32>} : memref<512x64xf32, #tpu.memory_space<vmem>>, vector<16xf32>,
      %get3A_457 = arith.index_cast %add3A_430 : i32 to index
      %get3A_458 = arith.constant 48 : index
      %get3A_459 = tpu.vector_load %arg10[%get3A_457, %get3A_458] {strides = array<i32>} : memref<512x64xf32, #tpu.memory_space<vmem>>, vector<16xf32>,
      %mul3A_460 = arith.mulf %get3A_456, %get3A_459 : vector<16xf32>
      %add3A_461 = arith.addf %add3A_453, %mul3A_460 : vector<16xf32>
      %add3A_462 = arith.constant 8 : i32
      %add3A_463 = vector.broadcast %add3A_462 : i32 to vector<16xi32>
      %add3A_464 = arith.addi %mul3A_131, %add3A_463 : vector<16xi32>
      tpu.vector_store_idx %arg11[%add3A_464], %add3A_461 : memref<256xf32, #tpu.memory_space<vmem>>[vector<16xi32>], vector<16xf32>,
      %add3A_465 = arith.constant 9 : i32
      %add3A_466 = arith.addi %mul3A_141, %add3A_465 : i32
      %get3A_467 = arith.index_cast %add3A_466 : i32 to index
      %get3A_468 = arith.constant 0 : index
      %get3A_469 = tpu.vector_load %arg9[%get3A_467, %get3A_468] {strides = array<i32>} : memref<512x64xf32, #tpu.memory_space<vmem>>, vector<16xf32>,
      %get3A_470 = arith.index_cast %add3A_466 : i32 to index
      %get3A_471 = arith.constant 0 : index
      %get3A_472 = tpu.vector_load %arg10[%get3A_470, %get3A_471] {strides = array<i32>} : memref<512x64xf32, #tpu.memory_space<vmem>>, vector<16xf32>,
      %mul3A_473 = arith.mulf %get3A_469, %get3A_472 : vector<16xf32>
      %get3A_474 = arith.index_cast %add3A_466 : i32 to index
      %get3A_475 = arith.constant 16 : index
      %get3A_476 = tpu.vector_load %arg9[%get3A_474, %get3A_475] {strides = array<i32>} : memref<512x64xf32, #tpu.memory_space<vmem>>, vector<16xf32>,
      %get3A_477 = arith.index_cast %add3A_466 : i32 to index
      %get3A_478 = arith.constant 16 : index
      %get3A_479 = tpu.vector_load %arg10[%get3A_477, %get3A_478] {strides = array<i32>} : memref<512x64xf32, #tpu.memory_space<vmem>>, vector<16xf32>,
      %mul3A_480 = arith.mulf %get3A_476, %get3A_479 : vector<16xf32>
      %add3A_481 = arith.addf %mul3A_473, %mul3A_480 : vector<16xf32>
      %get3A_482 = arith.index_cast %add3A_466 : i32 to index
      %get3A_483 = arith.constant 32 : index
      %get3A_484 = tpu.vector_load %arg9[%get3A_482, %get3A_483] {strides = array<i32>} : memref<512x64xf32, #tpu.memory_space<vmem>>, vector<16xf32>,
      %get3A_485 = arith.index_cast %add3A_466 : i32 to index
      %get3A_486 = arith.constant 32 : index
      %get3A_487 = tpu.vector_load %arg10[%get3A_485, %get3A_486] {strides = array<i32>} : memref<512x64xf32, #tpu.memory_space<vmem>>, vector<16xf32>,
      %mul3A_488 = arith.mulf %get3A_484, %get3A_487 : vector<16xf32>
      %add3A_489 = arith.addf %add3A_481, %mul3A_488 : vector<16xf32>
      %get3A_490 = arith.index_cast %add3A_466 : i32 to index
      %get3A_491 = arith.constant 48 : index
      %get3A_492 = tpu.vector_load %arg9[%get3A_490, %get3A_491] {strides = array<i32>} : memref<512x64xf32, #tpu.memory_space<vmem>>, vector<16xf32>,
      %get3A_493 = arith.index_cast %add3A_466 : i32 to index
      %get3A_494 = arith.constant 48 : index
      %get3A_495 = tpu.vector_load %arg10[%get3A_493, %get3A_494] {strides = array<i32>} : memref<512x64xf32, #tpu.memory_space<vmem>>, vector<16xf32>,
      %mul3A_496 = arith.mulf %get3A_492, %get3A_495 : vector<16xf32>
      %add3A_497 = arith.addf %add3A_489, %mul3A_496 : vector<16xf32>
      %add3A_498 = arith.constant 9 : i32
      %add3A_499 = vector.broadcast %add3A_498 : i32 to vector<16xi32>
      %add3A_500 = arith.addi %mul3A_131, %add3A_499 : vector<16xi32>
      tpu.vector_store_idx %arg11[%add3A_500], %add3A_497 : memref<256xf32, #tpu.memory_space<vmem>>[vector<16xi32>], vector<16xf32>,
      %add3A_501 = arith.constant 10 : i32
      %add3A_502 = arith.addi %mul3A_141, %add3A_501 : i32
      %get3A_503 = arith.index_cast %add3A_502 : i32 to index
      %get3A_504 = arith.constant 0 : index
      %get3A_505 = tpu.vector_load %arg9[%get3A_503, %get3A_504] {strides = array<i32>} : memref<512x64xf32, #tpu.memory_space<vmem>>, vector<16xf32>,
      %get3A_506 = arith.index_cast %add3A_502 : i32 to index
      %get3A_507 = arith.constant 0 : index
      %get3A_508 = tpu.vector_load %arg10[%get3A_506, %get3A_507] {strides = array<i32>} : memref<512x64xf32, #tpu.memory_space<vmem>>, vector<16xf32>,
      %mul3A_509 = arith.mulf %get3A_505, %get3A_508 : vector<16xf32>
      %get3A_510 = arith.index_cast %add3A_502 : i32 to index
      %get3A_511 = arith.constant 16 : index
      %get3A_512 = tpu.vector_load %arg9[%get3A_510, %get3A_511] {strides = array<i32>} : memref<512x64xf32, #tpu.memory_space<vmem>>, vector<16xf32>,
      %get3A_513 = arith.index_cast %add3A_502 : i32 to index
      %get3A_514 = arith.constant 16 : index
      %get3A_515 = tpu.vector_load %arg10[%get3A_513, %get3A_514] {strides = array<i32>} : memref<512x64xf32, #tpu.memory_space<vmem>>, vector<16xf32>,
      %mul3A_516 = arith.mulf %get3A_512, %get3A_515 : vector<16xf32>
      %add3A_517 = arith.addf %mul3A_509, %mul3A_516 : vector<16xf32>
      %get3A_518 = arith.index_cast %add3A_502 : i32 to index
      %get3A_519 = arith.constant 32 : index
      %get3A_520 = tpu.vector_load %arg9[%get3A_518, %get3A_519] {strides = array<i32>} : memref<512x64xf32, #tpu.memory_space<vmem>>, vector<16xf32>,
      %get3A_521 = arith.index_cast %add3A_502 : i32 to index
      %get3A_522 = arith.constant 32 : index
      %get3A_523 = tpu.vector_load %arg10[%get3A_521, %get3A_522] {strides = array<i32>} : memref<512x64xf32, #tpu.memory_space<vmem>>, vector<16xf32>,
      %mul3A_524 = arith.mulf %get3A_520, %get3A_523 : vector<16xf32>
      %add3A_525 = arith.addf %add3A_517, %mul3A_524 : vector<16xf32>
      %get3A_526 = arith.index_cast %add3A_502 : i32 to index
      %get3A_527 = arith.constant 48 : index
      %get3A_528 = tpu.vector_load %arg9[%get3A_526, %get3A_527] {strides = array<i32>} : memref<512x64xf32, #tpu.memory_space<vmem>>, vector<16xf32>,
      %get3A_529 = arith.index_cast %add3A_502 : i32 to index
      %get3A_530 = arith.constant 48 : index
      %get3A_531 = tpu.vector_load %arg10[%get3A_529, %get3A_530] {strides = array<i32>} : memref<512x64xf32, #tpu.memory_space<vmem>>, vector<16xf32>,
      %mul3A_532 = arith.mulf %get3A_528, %get3A_531 : vector<16xf32>
      %add3A_533 = arith.addf %add3A_525, %mul3A_532 : vector<16xf32>
      %add3A_534 = arith.constant 10 : i32
      %add3A_535 = vector.broadcast %add3A_534 : i32 to vector<16xi32>
      %add3A_536 = arith.addi %mul3A_131, %add3A_535 : vector<16xi32>
      tpu.vector_store_idx %arg11[%add3A_536], %add3A_533 : memref<256xf32, #tpu.memory_space<vmem>>[vector<16xi32>], vector<16xf32>,
      %add3A_537 = arith.constant 11 : i32
      %add3A_538 = arith.addi %mul3A_141, %add3A_537 : i32
      %get3A_539 = arith.index_cast %add3A_538 : i32 to index
      %get3A_540 = arith.constant 0 : index
      %get3A_541 = tpu.vector_load %arg9[%get3A_539, %get3A_540] {strides = array<i32>} : memref<512x64xf32, #tpu.memory_space<vmem>>, vector<16xf32>,
      %get3A_542 = arith.index_cast %add3A_538 : i32 to index
      %get3A_543 = arith.constant 0 : index
      %get3A_544 = tpu.vector_load %arg10[%get3A_542, %get3A_543] {strides = array<i32>} : memref<512x64xf32, #tpu.memory_space<vmem>>, vector<16xf32>,
      %mul3A_545 = arith.mulf %get3A_541, %get3A_544 : vector<16xf32>
      %get3A_546 = arith.index_cast %add3A_538 : i32 to index
      %get3A_547 = arith.constant 16 : index
      %get3A_548 = tpu.vector_load %arg9[%get3A_546, %get3A_547] {strides = array<i32>} : memref<512x64xf32, #tpu.memory_space<vmem>>, vector<16xf32>,
      %get3A_549 = arith.index_cast %add3A_538 : i32 to index
      %get3A_550 = arith.constant 16 : index
      %get3A_551 = tpu.vector_load %arg10[%get3A_549, %get3A_550] {strides = array<i32>} : memref<512x64xf32, #tpu.memory_space<vmem>>, vector<16xf32>,
      %mul3A_552 = arith.mulf %get3A_548, %get3A_551 : vector<16xf32>
      %add3A_553 = arith.addf %mul3A_545, %mul3A_552 : vector<16xf32>
      %get3A_554 = arith.index_cast %add3A_538 : i32 to index
      %get3A_555 = arith.constant 32 : index
      %get3A_556 = tpu.vector_load %arg9[%get3A_554, %get3A_555] {strides = array<i32>} : memref<512x64xf32, #tpu.memory_space<vmem>>, vector<16xf32>,
      %get3A_557 = arith.index_cast %add3A_538 : i32 to index
      %get3A_558 = arith.constant 32 : index
      %get3A_559 = tpu.vector_load %arg10[%get3A_557, %get3A_558] {strides = array<i32>} : memref<512x64xf32, #tpu.memory_space<vmem>>, vector<16xf32>,
      %mul3A_560 = arith.mulf %get3A_556, %get3A_559 : vector<16xf32>
      %add3A_561 = arith.addf %add3A_553, %mul3A_560 : vector<16xf32>
      %get3A_562 = arith.index_cast %add3A_538 : i32 to index
      %get3A_563 = arith.constant 48 : index
      %get3A_564 = tpu.vector_load %arg9[%get3A_562, %get3A_563] {strides = array<i32>} : memref<512x64xf32, #tpu.memory_space<vmem>>, vector<16xf32>,
      %get3A_565 = arith.index_cast %add3A_538 : i32 to index
      %get3A_566 = arith.constant 48 : index
      %get3A_567 = tpu.vector_load %arg10[%get3A_565, %get3A_566] {strides = array<i32>} : memref<512x64xf32, #tpu.memory_space<vmem>>, vector<16xf32>,
      %mul3A_568 = arith.mulf %get3A_564, %get3A_567 : vector<16xf32>
      %add3A_569 = arith.addf %add3A_561, %mul3A_568 : vector<16xf32>
      %add3A_570 = arith.constant 11 : i32
      %add3A_571 = vector.broadcast %add3A_570 : i32 to vector<16xi32>
      %add3A_572 = arith.addi %mul3A_131, %add3A_571 : vector<16xi32>
      tpu.vector_store_idx %arg11[%add3A_572], %add3A_569 : memref<256xf32, #tpu.memory_space<vmem>>[vector<16xi32>], vector<16xf32>,
      %add3A_573 = arith.constant 12 : i32
      %add3A_574 = arith.addi %mul3A_141, %add3A_573 : i32
      %get3A_575 = arith.index_cast %add3A_574 : i32 to index
      %get3A_576 = arith.constant 0 : index
      %get3A_577 = tpu.vector_load %arg9[%get3A_575, %get3A_576] {strides = array<i32>} : memref<512x64xf32, #tpu.memory_space<vmem>>, vector<16xf32>,
      %get3A_578 = arith.index_cast %add3A_574 : i32 to index
      %get3A_579 = arith.constant 0 : index
      %get3A_580 = tpu.vector_load %arg10[%get3A_578, %get3A_579] {strides = array<i32>} : memref<512x64xf32, #tpu.memory_space<vmem>>, vector<16xf32>,
      %mul3A_581 = arith.mulf %get3A_577, %get3A_580 : vector<16xf32>
      %get3A_582 = arith.index_cast %add3A_574 : i32 to index
      %get3A_583 = arith.constant 16 : index
      %get3A_584 = tpu.vector_load %arg9[%get3A_582, %get3A_583] {strides = array<i32>} : memref<512x64xf32, #tpu.memory_space<vmem>>, vector<16xf32>,
      %get3A_585 = arith.index_cast %add3A_574 : i32 to index
      %get3A_586 = arith.constant 16 : index
      %get3A_587 = tpu.vector_load %arg10[%get3A_585, %get3A_586] {strides = array<i32>} : memref<512x64xf32, #tpu.memory_space<vmem>>, vector<16xf32>,
      %mul3A_588 = arith.mulf %get3A_584, %get3A_587 : vector<16xf32>
      %add3A_589 = arith.addf %mul3A_581, %mul3A_588 : vector<16xf32>
      %get3A_590 = arith.index_cast %add3A_574 : i32 to index
      %get3A_591 = arith.constant 32 : index
      %get3A_592 = tpu.vector_load %arg9[%get3A_590, %get3A_591] {strides = array<i32>} : memref<512x64xf32, #tpu.memory_space<vmem>>, vector<16xf32>,
      %get3A_593 = arith.index_cast %add3A_574 : i32 to index
      %get3A_594 = arith.constant 32 : index
      %get3A_595 = tpu.vector_load %arg10[%get3A_593, %get3A_594] {strides = array<i32>} : memref<512x64xf32, #tpu.memory_space<vmem>>, vector<16xf32>,
      %mul3A_596 = arith.mulf %get3A_592, %get3A_595 : vector<16xf32>
      %add3A_597 = arith.addf %add3A_589, %mul3A_596 : vector<16xf32>
      %get3A_598 = arith.index_cast %add3A_574 : i32 to index
      %get3A_599 = arith.constant 48 : index
      %get3A_600 = tpu.vector_load %arg9[%get3A_598, %get3A_599] {strides = array<i32>} : memref<512x64xf32, #tpu.memory_space<vmem>>, vector<16xf32>,
      %get3A_601 = arith.index_cast %add3A_574 : i32 to index
      %get3A_602 = arith.constant 48 : index
      %get3A_603 = tpu.vector_load %arg10[%get3A_601, %get3A_602] {strides = array<i32>} : memref<512x64xf32, #tpu.memory_space<vmem>>, vector<16xf32>,
      %mul3A_604 = arith.mulf %get3A_600, %get3A_603 : vector<16xf32>
      %add3A_605 = arith.addf %add3A_597, %mul3A_604 : vector<16xf32>
      %add3A_606 = arith.constant 12 : i32
      %add3A_607 = vector.broadcast %add3A_606 : i32 to vector<16xi32>
      %add3A_608 = arith.addi %mul3A_131, %add3A_607 : vector<16xi32>
      tpu.vector_store_idx %arg11[%add3A_608], %add3A_605 : memref<256xf32, #tpu.memory_space<vmem>>[vector<16xi32>], vector<16xf32>,
      %add3A_609 = arith.constant 13 : i32
      %add3A_610 = arith.addi %mul3A_141, %add3A_609 : i32
      %get3A_611 = arith.index_cast %add3A_610 : i32 to index
      %get3A_612 = arith.constant 0 : index
      %get3A_613 = tpu.vector_load %arg9[%get3A_611, %get3A_612] {strides = array<i32>} : memref<512x64xf32, #tpu.memory_space<vmem>>, vector<16xf32>,
      %get3A_614 = arith.index_cast %add3A_610 : i32 to index
      %get3A_615 = arith.constant 0 : index
      %get3A_616 = tpu.vector_load %arg10[%get3A_614, %get3A_615] {strides = array<i32>} : memref<512x64xf32, #tpu.memory_space<vmem>>, vector<16xf32>,
      %mul3A_617 = arith.mulf %get3A_613, %get3A_616 : vector<16xf32>
      %get3A_618 = arith.index_cast %add3A_610 : i32 to index
      %get3A_619 = arith.constant 16 : index
      %get3A_620 = tpu.vector_load %arg9[%get3A_618, %get3A_619] {strides = array<i32>} : memref<512x64xf32, #tpu.memory_space<vmem>>, vector<16xf32>,
      %get3A_621 = arith.index_cast %add3A_610 : i32 to index
      %get3A_622 = arith.constant 16 : index
      %get3A_623 = tpu.vector_load %arg10[%get3A_621, %get3A_622] {strides = array<i32>} : memref<512x64xf32, #tpu.memory_space<vmem>>, vector<16xf32>,
      %mul3A_624 = arith.mulf %get3A_620, %get3A_623 : vector<16xf32>
      %add3A_625 = arith.addf %mul3A_617, %mul3A_624 : vector<16xf32>
      %get3A_626 = arith.index_cast %add3A_610 : i32 to index
      %get3A_627 = arith.constant 32 : index
      %get3A_628 = tpu.vector_load %arg9[%get3A_626, %get3A_627] {strides = array<i32>} : memref<512x64xf32, #tpu.memory_space<vmem>>, vector<16xf32>,
      %get3A_629 = arith.index_cast %add3A_610 : i32 to index
      %get3A_630 = arith.constant 32 : index
      %get3A_631 = tpu.vector_load %arg10[%get3A_629, %get3A_630] {strides = array<i32>} : memref<512x64xf32, #tpu.memory_space<vmem>>, vector<16xf32>,
      %mul3A_632 = arith.mulf %get3A_628, %get3A_631 : vector<16xf32>
      %add3A_633 = arith.addf %add3A_625, %mul3A_632 : vector<16xf32>
      %get3A_634 = arith.index_cast %add3A_610 : i32 to index
      %get3A_635 = arith.constant 48 : index
      %get3A_636 = tpu.vector_load %arg9[%get3A_634, %get3A_635] {strides = array<i32>} : memref<512x64xf32, #tpu.memory_space<vmem>>, vector<16xf32>,
      %get3A_637 = arith.index_cast %add3A_610 : i32 to index
      %get3A_638 = arith.constant 48 : index
      %get3A_639 = tpu.vector_load %arg10[%get3A_637, %get3A_638] {strides = array<i32>} : memref<512x64xf32, #tpu.memory_space<vmem>>, vector<16xf32>,
      %mul3A_640 = arith.mulf %get3A_636, %get3A_639 : vector<16xf32>
      %add3A_641 = arith.addf %add3A_633, %mul3A_640 : vector<16xf32>
      %add3A_642 = arith.constant 13 : i32
      %add3A_643 = vector.broadcast %add3A_642 : i32 to vector<16xi32>
      %add3A_644 = arith.addi %mul3A_131, %add3A_643 : vector<16xi32>
      tpu.vector_store_idx %arg11[%add3A_644], %add3A_641 : memref<256xf32, #tpu.memory_space<vmem>>[vector<16xi32>], vector<16xf32>,
      %add3A_645 = arith.constant 14 : i32
      %add3A_646 = arith.addi %mul3A_141, %add3A_645 : i32
      %get3A_647 = arith.index_cast %add3A_646 : i32 to index
      %get3A_648 = arith.constant 0 : index
      %get3A_649 = tpu.vector_load %arg9[%get3A_647, %get3A_648] {strides = array<i32>} : memref<512x64xf32, #tpu.memory_space<vmem>>, vector<16xf32>,
      %get3A_650 = arith.index_cast %add3A_646 : i32 to index
      %get3A_651 = arith.constant 0 : index
      %get3A_652 = tpu.vector_load %arg10[%get3A_650, %get3A_651] {strides = array<i32>} : memref<512x64xf32, #tpu.memory_space<vmem>>, vector<16xf32>,
      %mul3A_653 = arith.mulf %get3A_649, %get3A_652 : vector<16xf32>
      %get3A_654 = arith.index_cast %add3A_646 : i32 to index
      %get3A_655 = arith.constant 16 : index
      %get3A_656 = tpu.vector_load %arg9[%get3A_654, %get3A_655] {strides = array<i32>} : memref<512x64xf32, #tpu.memory_space<vmem>>, vector<16xf32>,
      %get3A_657 = arith.index_cast %add3A_646 : i32 to index
      %get3A_658 = arith.constant 16 : index
      %get3A_659 = tpu.vector_load %arg10[%get3A_657, %get3A_658] {strides = array<i32>} : memref<512x64xf32, #tpu.memory_space<vmem>>, vector<16xf32>,
      %mul3A_660 = arith.mulf %get3A_656, %get3A_659 : vector<16xf32>
      %add3A_661 = arith.addf %mul3A_653, %mul3A_660 : vector<16xf32>
      %get3A_662 = arith.index_cast %add3A_646 : i32 to index
      %get3A_663 = arith.constant 32 : index
      %get3A_664 = tpu.vector_load %arg9[%get3A_662, %get3A_663] {strides = array<i32>} : memref<512x64xf32, #tpu.memory_space<vmem>>, vector<16xf32>,
      %get3A_665 = arith.index_cast %add3A_646 : i32 to index
      %get3A_666 = arith.constant 32 : index
      %get3A_667 = tpu.vector_load %arg10[%get3A_665, %get3A_666] {strides = array<i32>} : memref<512x64xf32, #tpu.memory_space<vmem>>, vector<16xf32>,
      %mul3A_668 = arith.mulf %get3A_664, %get3A_667 : vector<16xf32>
      %add3A_669 = arith.addf %add3A_661, %mul3A_668 : vector<16xf32>
      %get3A_670 = arith.index_cast %add3A_646 : i32 to index
      %get3A_671 = arith.constant 48 : index
      %get3A_672 = tpu.vector_load %arg9[%get3A_670, %get3A_671] {strides = array<i32>} : memref<512x64xf32, #tpu.memory_space<vmem>>, vector<16xf32>,
      %get3A_673 = arith.index_cast %add3A_646 : i32 to index
      %get3A_674 = arith.constant 48 : index
      %get3A_675 = tpu.vector_load %arg10[%get3A_673, %get3A_674] {strides = array<i32>} : memref<512x64xf32, #tpu.memory_space<vmem>>, vector<16xf32>,
      %mul3A_676 = arith.mulf %get3A_672, %get3A_675 : vector<16xf32>
      %add3A_677 = arith.addf %add3A_669, %mul3A_676 : vector<16xf32>
      %add3A_678 = arith.constant 14 : i32
      %add3A_679 = vector.broadcast %add3A_678 : i32 to vector<16xi32>
      %add3A_680 = arith.addi %mul3A_131, %add3A_679 : vector<16xi32>
      tpu.vector_store_idx %arg11[%add3A_680], %add3A_677 : memref<256xf32, #tpu.memory_space<vmem>>[vector<16xi32>], vector<16xf32>,
      %add3A_681 = arith.constant 15 : i32
      %add3A_682 = arith.addi %mul3A_141, %add3A_681 : i32
      %get3A_683 = arith.index_cast %add3A_682 : i32 to index
      %get3A_684 = arith.constant 0 : index
      %get3A_685 = tpu.vector_load %arg9[%get3A_683, %get3A_684] {strides = array<i32>} : memref<512x64xf32, #tpu.memory_space<vmem>>, vector<16xf32>,
      %get3A_686 = arith.index_cast %add3A_682 : i32 to index
      %get3A_687 = arith.constant 0 : index
      %get3A_688 = tpu.vector_load %arg10[%get3A_686, %get3A_687] {strides = array<i32>} : memref<512x64xf32, #tpu.memory_space<vmem>>, vector<16xf32>,
      %mul3A_689 = arith.mulf %get3A_685, %get3A_688 : vector<16xf32>
      %get3A_690 = arith.index_cast %add3A_682 : i32 to index
      %get3A_691 = arith.constant 16 : index
      %get3A_692 = tpu.vector_load %arg9[%get3A_690, %get3A_691] {strides = array<i32>} : memref<512x64xf32, #tpu.memory_space<vmem>>, vector<16xf32>,
      %get3A_693 = arith.index_cast %add3A_682 : i32 to index
      %get3A_694 = arith.constant 16 : index
      %get3A_695 = tpu.vector_load %arg10[%get3A_693, %get3A_694] {strides = array<i32>} : memref<512x64xf32, #tpu.memory_space<vmem>>, vector<16xf32>,
      %mul3A_696 = arith.mulf %get3A_692, %get3A_695 : vector<16xf32>
      %add3A_697 = arith.addf %mul3A_689, %mul3A_696 : vector<16xf32>
      %get3A_698 = arith.index_cast %add3A_682 : i32 to index
      %get3A_699 = arith.constant 32 : index
      %get3A_700 = tpu.vector_load %arg9[%get3A_698, %get3A_699] {strides = array<i32>} : memref<512x64xf32, #tpu.memory_space<vmem>>, vector<16xf32>,
      %get3A_701 = arith.index_cast %add3A_682 : i32 to index
      %get3A_702 = arith.constant 32 : index
      %get3A_703 = tpu.vector_load %arg10[%get3A_701, %get3A_702] {strides = array<i32>} : memref<512x64xf32, #tpu.memory_space<vmem>>, vector<16xf32>,
      %mul3A_704 = arith.mulf %get3A_700, %get3A_703 : vector<16xf32>
      %add3A_705 = arith.addf %add3A_697, %mul3A_704 : vector<16xf32>
      %get3A_706 = arith.index_cast %add3A_682 : i32 to index
      %get3A_707 = arith.constant 48 : index
      %get3A_708 = tpu.vector_load %arg9[%get3A_706, %get3A_707] {strides = array<i32>} : memref<512x64xf32, #tpu.memory_space<vmem>>, vector<16xf32>,
      %get3A_709 = arith.index_cast %add3A_682 : i32 to index
      %get3A_710 = arith.constant 48 : index
      %get3A_711 = tpu.vector_load %arg10[%get3A_709, %get3A_710] {strides = array<i32>} : memref<512x64xf32, #tpu.memory_space<vmem>>, vector<16xf32>,
      %mul3A_712 = arith.mulf %get3A_708, %get3A_711 : vector<16xf32>
      %add3A_713 = arith.addf %add3A_705, %mul3A_712 : vector<16xf32>
      %add3A_714 = arith.constant 15 : i32
      %add3A_715 = vector.broadcast %add3A_714 : i32 to vector<16xi32>
      %add3A_716 = arith.addi %mul3A_131, %add3A_715 : vector<16xi32>
      tpu.vector_store_idx %arg11[%add3A_716], %add3A_713 : memref<256xf32, #tpu.memory_space<vmem>>[vector<16xi32>], vector<16xf32>,
      %get3A_717 = arith.constant 0 : index
      %get3A_718 = tpu.vector_load %arg11[%get3A_717] {strides = array<i32>} : memref<256xf32, #tpu.memory_space<vmem>>, vector<16xf32>,
      %get3A_719 = arith.constant 16 : index
      %get3A_720 = tpu.vector_load %arg11[%get3A_719] {strides = array<i32>} : memref<256xf32, #tpu.memory_space<vmem>>, vector<16xf32>,
      %add3A_721 = arith.addf %get3A_718, %get3A_720 : vector<16xf32>
      %get3A_722 = arith.constant 32 : index
      %get3A_723 = tpu.vector_load %arg11[%get3A_722] {strides = array<i32>} : memref<256xf32, #tpu.memory_space<vmem>>, vector<16xf32>,
      %add3A_724 = arith.addf %add3A_721, %get3A_723 : vector<16xf32>
      %get3A_725 = arith.constant 48 : index
      %get3A_726 = tpu.vector_load %arg11[%get3A_725] {strides = array<i32>} : memref<256xf32, #tpu.memory_space<vmem>>, vector<16xf32>,
      %add3A_727 = arith.addf %add3A_724, %get3A_726 : vector<16xf32>
      %get3A_728 = arith.constant 64 : index
      %get3A_729 = tpu.vector_load %arg11[%get3A_728] {strides = array<i32>} : memref<256xf32, #tpu.memory_space<vmem>>, vector<16xf32>,
      %add3A_730 = arith.addf %add3A_727, %get3A_729 : vector<16xf32>
      %get3A_731 = arith.constant 80 : index
      %get3A_732 = tpu.vector_load %arg11[%get3A_731] {strides = array<i32>} : memref<256xf32, #tpu.memory_space<vmem>>, vector<16xf32>,
      %add3A_733 = arith.addf %add3A_730, %get3A_732 : vector<16xf32>
      %get3A_734 = arith.constant 96 : index
      %get3A_735 = tpu.vector_load %arg11[%get3A_734] {strides = array<i32>} : memref<256xf32, #tpu.memory_space<vmem>>, vector<16xf32>,
      %add3A_736 = arith.addf %add3A_733, %get3A_735 : vector<16xf32>
      %get3A_737 = arith.constant 112 : index
      %get3A_738 = tpu.vector_load %arg11[%get3A_737] {strides = array<i32>} : memref<256xf32, #tpu.memory_space<vmem>>, vector<16xf32>,
      %add3A_739 = arith.addf %add3A_736, %get3A_738 : vector<16xf32>
      %get3A_740 = arith.constant 128 : index
      %get3A_741 = tpu.vector_load %arg11[%get3A_740] {strides = array<i32>} : memref<256xf32, #tpu.memory_space<vmem>>, vector<16xf32>,
      %add3A_742 = arith.addf %add3A_739, %get3A_741 : vector<16xf32>
      %get3A_743 = arith.constant 144 : index
      %get3A_744 = tpu.vector_load %arg11[%get3A_743] {strides = array<i32>} : memref<256xf32, #tpu.memory_space<vmem>>, vector<16xf32>,
      %add3A_745 = arith.addf %add3A_742, %get3A_744 : vector<16xf32>
      %get3A_746 = arith.constant 160 : index
      %get3A_747 = tpu.vector_load %arg11[%get3A_746] {strides = array<i32>} : memref<256xf32, #tpu.memory_space<vmem>>, vector<16xf32>,
      %add3A_748 = arith.addf %add3A_745, %get3A_747 : vector<16xf32>
      %get3A_749 = arith.constant 176 : index
      %get3A_750 = tpu.vector_load %arg11[%get3A_749] {strides = array<i32>} : memref<256xf32, #tpu.memory_space<vmem>>, vector<16xf32>,
      %add3A_751 = arith.addf %add3A_748, %get3A_750 : vector<16xf32>
      %get3A_752 = arith.constant 192 : index
      %get3A_753 = tpu.vector_load %arg11[%get3A_752] {strides = array<i32>} : memref<256xf32, #tpu.memory_space<vmem>>, vector<16xf32>,
      %add3A_754 = arith.addf %add3A_751, %get3A_753 : vector<16xf32>
      %get3A_755 = arith.constant 208 : index
      %get3A_756 = tpu.vector_load %arg11[%get3A_755] {strides = array<i32>} : memref<256xf32, #tpu.memory_space<vmem>>, vector<16xf32>,
      %add3A_757 = arith.addf %add3A_754, %get3A_756 : vector<16xf32>
      %get3A_758 = arith.constant 224 : index
      %get3A_759 = tpu.vector_load %arg11[%get3A_758] {strides = array<i32>} : memref<256xf32, #tpu.memory_space<vmem>>, vector<16xf32>,
      %add3A_760 = arith.addf %add3A_757, %get3A_759 : vector<16xf32>
      %get3A_761 = arith.constant 240 : index
      %get3A_762 = tpu.vector_load %arg11[%get3A_761] {strides = array<i32>} : memref<256xf32, #tpu.memory_space<vmem>>, vector<16xf32>,
      %add3A_763 = arith.addf %add3A_760, %get3A_762 : vector<16xf32>
      %swap3A = arith.index_cast %mul3A_141 : i32 to index
      %swap3A_764 = tpu.vector_load %arg12[%swap3A] {strides = array<i32>} : memref<512xf32, #tpu.memory_space<vmem>>, vector<16xf32>,
      tpu.vector_store %arg12[%swap3A], %add3A_763 {strides = array<i32>} : memref<512xf32, #tpu.memory_space<vmem>>, vector<16xf32>,
      %scan3A_765 = arith.constant 0 : i32
      scf.yield %scan3A_765 : i32
    }
    %scan3A_137 = arith.constant 32 : i32
    "tpu.region"() ({
      %run_scoped3A = tpu.sem_alloc : memref<!tpu.dma_semaphore, #tpu.memory_space<semaphore_mem>>
      %dma_start3A_138 = tpu.memref_slice %arg6[%mul3A_2] : memref<16384xf32, #tpu.memory_space<hbm>> -> memref<512xf32, #tpu.memory_space<hbm>>
      %dma_start3A_139 = tpu.memref_slice %arg6[%mul3A_2] : memref<16384xf32, #tpu.memory_space<hbm>> -> memref<512xf32, #tpu.memory_space<hbm>>
      tpu.enqueue_dma source(%arg12 : memref<512xf32, #tpu.memory_space<vmem>>) target(%dma_start3A_139 : memref<512xf32, #tpu.memory_space<hbm>>) target_semaphore(%run_scoped3A : memref<!tpu.dma_semaphore, #tpu.memory_space<semaphore_mem>>)
      %dma_wait3A_140 = tpu.memref_slice %arg6[%mul3A_2] : memref<16384xf32, #tpu.memory_space<hbm>> -> memref<512xf32, #tpu.memory_space<hbm>>
      %dma_wait3A_141 = tpu.memref_slice %arg6[%mul3A_2] : memref<16384xf32, #tpu.memory_space<hbm>> -> memref<512xf32, #tpu.memory_space<hbm>>
      tpu.wait_dma2 semaphore(%run_scoped3A : memref<!tpu.dma_semaphore, #tpu.memory_space<semaphore_mem>>) src(%arg12 : memref<512xf32, #tpu.memory_space<vmem>>) dst(%dma_wait3A_141 : memref<512xf32, #tpu.memory_space<hbm>>)
      tpu.yield
    }) : () -> ()
    return
  }
}

module attributes {stable_mosaic.version = 14 : i64} {
  func.func @_bce_kernel(%arg0: memref<128x128xf32, #tpu.memory_space<vmem>>, %arg1: memref<128x128xf32, #tpu.memory_space<vmem>>, %arg2: memref<1x1xf32, #tpu.memory_space<smem>>) attributes {dimension_semantics = [], scalar_prefetch = 0 : i64, scratch_operands = 0 : i64, tpu.core_type = #tpu.core_type<tc>} {
    %get3A = arith.constant 0 : index
    %get3A_0 = arith.constant 0 : index
    %get3A_1 = vector.load %arg0[%get3A, %get3A_0] : memref<128x128xf32, #tpu.memory_space<vmem>>, vector<128x128xf32>
    %get3A_2 = arith.constant 0 : index
    %get3A_3 = arith.constant 0 : index
    %get3A_4 = vector.load %arg1[%get3A_2, %get3A_3] : memref<128x128xf32, #tpu.memory_space<vmem>>, vector<128x128xf32>
    %max3A = arith.constant 0.000000e+00 : f32
    %max3A_5 = vector.broadcast %max3A : f32 to vector<128x128xf32>
    %max3A_6 = arith.maximumf %get3A_1, %max3A_5 : vector<128x128xf32>
    %mul3A = arith.mulf %get3A_1, %get3A_4 : vector<128x128xf32>
    %sub3A = arith.subf %max3A_6, %mul3A : vector<128x128xf32>
    %abs3A = math.absf %get3A_1 : vector<128x128xf32>
    %neg3A = arith.constant 0.000000e+00 : f32
    %neg3A_7 = vector.broadcast %neg3A : f32 to vector<128x128xf32>
    %neg3A_8 = arith.subf %neg3A_7, %abs3A : vector<128x128xf32>
    %exp3A = math.exp %neg3A_8 : vector<128x128xf32>
    %log1p3A = math.log1p %exp3A : vector<128x128xf32>
    %add3A = arith.addf %sub3A, %log1p3A : vector<128x128xf32>
    %reduce_sum3A = vector.shape_cast %add3A : vector<128x128xf32> to vector<1x128x128xf32>
    %reduce_sum3A_9 = arith.constant dense<0.000000e+00> : vector<1xf32>
    %reduce_sum3A_10 = vector.multi_reduction <add>, %reduce_sum3A, %reduce_sum3A_9 [1, 2] : vector<1x128x128xf32> to vector<1xf32>
    %reduce_sum3A_11 = vector.shape_cast %reduce_sum3A_10 : vector<1xf32> to vector<1x1x1xf32>
    %reduce_sum3A_12 = vector.extract %reduce_sum3A_11[0, 0, 0] : f32 from vector<1x1x1xf32>
    %div3A = arith.constant 1.638400e+04 : f32
    %div3A_13 = arith.divf %reduce_sum3A_12, %div3A : f32
    %swap3A = arith.constant 0 : index
    %swap3A_14 = arith.constant 0 : index
    %swap3A_15 = memref.load %arg2[%swap3A, %swap3A_14] : memref<1x1xf32, #tpu.memory_space<smem>>
    memref.store %div3A_13, %arg2[%swap3A, %swap3A_14] : memref<1x1xf32, #tpu.memory_space<smem>>
    return
  }
}

</mosaic_0001>

<sc_bundles>
// kernel: kernel.4.cloned.1.call-start
scs
__scs_entry_jumppad:
0x0: {  	(pc) =	sbr.rel $0x88, $3  }
0x1: {  	(tag) =	ssettag $0x0;
	lr =	simm.s32 $0x1  }
0x2: {  	[smem:$0x3F9C] =	sst lr;
	_ =	strace $0xD0000000  }
0x3: {  	_ = 	snop  }
0x4: {  	_ = 	snop  }
0x5: {  	_ = 	snop  }
0x6: {  	_ = 	snop  }
0x7: {  	_ = 	snop  }
__scs_overlays_trampoline_lowered:
0x8: {  	[smem:$0x3FAB] =	sst s0  }
0x9: {  	[smem:$0x3FAC] =	sst s1  }
0xa: {  	[smem:$0x3FAD] =	sst s2  }
0xb: {  	[smem:$0x3FAE] =	sst s3  }
0xc: {  	[smem:$0x3FAF] =	sst s4  }
0xd: {  	[smem:$0x3FB0] =	sst s5  }
0xe: {  	[smem:$0x3FB1] =	sst s6  }
0xf: {  	[smem:$0x3FB2] =	sst s7  }
0x10: {  	[smem:$0x3FB3] =	sst s8  }
0x11: {  	[smem:$0x3FB4] =	sst s9;
	s0 =	simm.s32 @!p0 $0x0  }
0x12: {  	s1 =	sld [smem:$0x3F9A];
	s0 =	simm.s32 @p0 $0x1  }
0x13: {  	[smem:$0x3FB5] =	sst s0;
	s0 =	simm.s32 @!p1 $0x0  }
0x14: {  	s2 =	sld [smem:$0x3F99];
	s0 =	simm.s32 @p1 $0x1  }
0x15: {  	[smem:$0x3FB6] =	sst s0;
	s0 =	simm.s32 @!p2 $0x0  }
0x16: {  	s3 =	sld [smem:$0x3FDB];
	s0 =	simm.s32 @p2 $0x1  }
0x17: {  	s4 =	simm.s32 $0x1BF5;
	[smem:$0x3FB8] =	sst s0  }
0x18: {  	s0 =	sld [smem:$0x3F9B];
	_ =	swait.ge [sflag:s4], $0x0  }
0x19: {  	s7 =	sld [smem:$0x3F9C]  }
0x1a: {  	s8 =	sadd.s32 $0xFFFFE003, lr  }
0x1b: {  	s9 =	sadd.s32 $0xFFFFFEF7, lr;
	s5 =	simm.s32 $0xFFFFFFFF;
	p2 =	slt.u32 s8, $0xFFFFF086  }
0x1c: {  	p1 =	slt.u32 s9, $0xF7A;
	s5 =	simm.s32 @!p2 $0x0  }
0x1d: {  	s5 =	simm.s32 @p1 $0x1;
	p0 =	seq.s32 s7, s2  }
0x1e: {  	s7 =	smul.u32 @!p0 $0xF7A, s2;
	p2 =	seq.s32 @!p0 s5, $0x0  }
0x1f: {  	s9 =	smul.u32 $0xF7A, s1;
	s8 =	simm.s32 @!p0 $0x1BF5;
	p2 =	por !p2, p0  }
0x20: {  	[sflag:s8] =	ssyncset.s32 @!p0 $0xFFFFF086;
	s6 =	sadd.s32 @!p0 s3, s7;
	s7 =	simm.s32 @!p0 $0x108  }
0x21: {  	s3 =	sadd.s32 s3, s9;
	s6 =	sadd.s32 @!p0 $0x88, s6;
	s7 =	simm.s32 @p2 $0x1082  }
0x22: {  	[simem:s7], [sflag:s8] =	dma.local @!p0 [hbm:s6], $0xF7A  }
0x23: {  	s9 =	sor.u32 $0xD0000000, s2;
	s6 =	simm.s32 $0x108;
	_ =	swait.ge @!p0 [sflag:s8], $0x0  }
0x24: {  	s3 =	sadd.s32 $0x88, s3;
	s6 =	simm.s32 @!p1 $0x1082;
	[sflag:s4] =	ssyncset.s32 $0xFFFFF086  }
0x25: {  	[simem:s6], [sflag:s4] =	dma.local [hbm:s3], $0xF7A  }
0x26: {  	[smem:$0x3F9C] =	sst s1;
	(tag) =	ssettag s2;
	_ =	strace s9  }
0x27: {  	s1 =	sld [smem:$0x3FAC]  }
0x28: {  	s2 =	sld [smem:$0x3FAD]  }
0x29: {  	s4 =	sld [smem:$0x3FAF]  }
0x2a: {  	p0 =	seq.s32 s5, $0x0;
	s5 =	sld [smem:$0x3FB0]  }
0x2b: {  	s6 =	sld [smem:$0x3FB1]  }
0x2c: {  	s7 =	sld [smem:$0x3FB2]  }
0x2d: {  	s3 =	simm.s32 $0x108;
	s8 =	sld [smem:$0x3FB3]  }
0x2e: {  	s3 =	simm.s32 @!p0 $0x1082;
	s9 =	sld [smem:$0x3FB4]  }
0x2f: {  	lr =	sadd.s32 s0, s3;
	s0 =	sld [smem:$0x3FAB]  }
0x30: {  	s3 =	sld [smem:$0x3FAE]  }
0x31: {  	[smem:$0x3FB7] =	sst s10  }
0x32: {  	s10 =	sld [smem:$0x3FB5];
	_ =	sdelay $0x3  }
0x33: {  	p0 =	seq.s32 s10, $0x1;
	s10 =	sld [smem:$0x3FB7];
	_ =	sdelay $0x3  }
0x34: {  	[smem:$0x3FB7] =	sst s10  }
0x35: {  	s10 =	sld [smem:$0x3FB6];
	_ =	sdelay $0x3  }
0x36: {  	p1 =	seq.s32 s10, $0x1;
	s10 =	sld [smem:$0x3FB7];
	_ =	sdelay $0x3  }
0x37: {  	[smem:$0x3FB7] =	sst s10  }
0x38: {  	s10 =	sld [smem:$0x3FB8]  }
0x39: {  	_ = 	snop;
	(pc) =	sbr.ind lr, $3  }
0x3a: {  	_ = 	snop  }
0x3b: {  	_ = 	snop  }
0x3c: {  	p2 =	seq.s32 s10, $0x1;
	s10 =	sld [smem:$0x3FB7]  }
0x3d: {  	_ =	shalt  }
0x3e: {  	_ =	shalt  }
0x3f: {  	_ =	shalt  }
0x40: {  	_ =	shalt  }
0x41: {  	_ =	shalt  }
0x42: {  	_ =	shalt  }
0x43: {  	_ =	shalt  }
0x44: {  	_ =	shalt  }
0x45: {  	_ =	shalt  }
0x46: {  	_ =	shalt  }
0x47: {  	_ =	shalt  }
0x48: {  	_ =	shalt  }
0x49: {  	_ =	shalt  }
0x4a: {  	_ =	shalt  }
0x4b: {  	_ =	shalt  }
0x4c: {  	_ =	shalt  }
0x4d: {  	_ =	shalt  }
0x4e: {  	_ =	shalt  }
0x4f: {  	_ =	shalt  }
0x50: {  	_ =	shalt  }
0x51: {  	_ =	shalt  }
0x52: {  	_ =	shalt  }
0x53: {  	_ =	shalt  }
0x54: {  	_ =	shalt  }
0x55: {  	_ =	shalt  }
0x56: {  	_ =	shalt  }
0x57: {  	_ =	shalt  }
0x58: {  	_ =	shalt  }
0x59: {  	_ =	shalt  }
0x5a: {  	_ =	shalt  }
0x5b: {  	_ =	shalt  }
0x5c: {  	_ =	shalt  }
0x5d: {  	_ =	shalt  }
0x5e: {  	_ =	shalt  }
0x5f: {  	_ =	shalt  }
0x60: {  	_ =	shalt  }
0x61: {  	_ =	shalt  }
0x62: {  	_ =	shalt  }
0x63: {  	_ =	shalt  }
0x64: {  	_ =	shalt  }
0x65: {  	_ =	shalt  }
0x66: {  	_ =	shalt  }
0x67: {  	_ =	shalt  }
0x68: {  	_ =	shalt  }
0x69: {  	_ =	shalt  }
0x6a: {  	_ =	shalt  }
0x6b: {  	_ =	shalt  }
0x6c: {  	_ =	shalt  }
0x6d: {  	_ =	shalt  }
0x6e: {  	_ =	shalt  }
0x6f: {  	_ =	shalt  }
0x70: {  	_ =	shalt  }
0x71: {  	_ =	shalt  }
0x72: {  	_ =	shalt  }
0x73: {  	_ =	shalt  }
0x74: {  	_ =	shalt  }
0x75: {  	_ =	shalt  }
0x76: {  	_ =	shalt  }
0x77: {  	_ =	shalt  }
0x78: {  	_ =	shalt  }
0x79: {  	_ =	shalt  }
0x7a: {  	_ =	shalt  }
0x7b: {  	_ =	shalt  }
0x7c: {  	_ =	shalt  }
0x7d: {  	_ =	shalt  }
0x7e: {  	_ =	shalt  }
0x7f: {  	_ =	shalt  }
0x80: {  	_ =	shalt  }
0x81: {  	_ =	shalt  }
0x82: {  	_ =	shalt  }
0x83: {  	_ =	shalt  }
0x84: {  	_ =	shalt  }
0x85: {  	_ =	shalt  }
0x86: {  	_ =	shalt  }
0x87: {  	_ =	shalt  }
.Lfunc_end0:
.L_simem_size_0:
called_computation_lowered:
.L_overlay_start_0:
0x88: {  	s2 =	sld [smem:$0x3FD9]  }
0x89: {  	s3 =	sld [smem:$0x3FFE];
	_ =	sdelay $0x1  }
0x8a: {  	s1 =	srdreg.scid  }
0x8b: {  	s0 =	sand.u32 $0x1, s1  }
0x8c: {  	s17 =	sshll.u32 s0, $0xA;
	s2 =	sadd.s32 s3, s2  }
0x8d: {  	s2 =	sadd.s32 s2, s17  }
0x8e: {  	[smem:$0x3FC3] =	sst s2  }
0x8f: {  	_ = 	snop  }
0x90: {  	s2 =	sld [smem:$0x3FC9]  }
0x91: {  	s18 =	sld [smem:$0x3FC8];
	(tm) =	ssettm $0x1  }
0x92: {  	s4 =	sld [smem:$0x3FFB];
	_ =	sdelay $0x3  }
0x93: {  	_ =	strace s4  }
0x94: {  	s4 =	sld [smem:$0x3FFC];
	_ =	sdelay $0x3  }
0x95: {  	_ =	strace s4  }
0x96: {  	s4 =	sld [smem:$0x3FFD];
	_ =	sdelay $0x3  }
0x97: {  	_ =	strace s4  }
0x98: {  	_ =	strace $0x8FFFFFFF  }
0x99: {  	s19 =	sld [smem:$0x3FDB];
	_ =	sdelay $0x1  }
0x9a: {  	s5 =	simm.s32 $_scs_section_size  }
0x9b: {  	s6 =	simm.s32 $_size__tile_overlayer_lowered;
	s7 =	simm.s32 $_tile_overlayer_lowered  }
0x9c: {  	s22 =	simm.s32 $0x1BFF;
	s21 =	sshll.u32 s7, $0x1;
	s4 =	sadd.s32 s5, s19  }
0x9d: {  	s8 =	simm.s32 $0x0;
	s20 =	sshll.u32 s6, $0x1;
	s6 =	sadd.s32 s21, s4  }
0x9e: {  	[timem:s8], [sflag:s22] =	dma.local [hbm:s6], s20  }
0x9f: {  	_ =	swait.ge [sflag:s22], s20  }
0xa0: {  	s5 =	ssub.s32 $0x0, s20;
	[sflag:s22] =	ssyncset.done $0x0  }
0xa1: {  	[sflag:s22] =	ssyncadd.s32 s5;
	_ =	sdelay $0x1  }
0xa2: {  	s23 =	simm.s32 $0x1B8B  }
0xa3: {  	_ =	swait.ge [sflag:s23], $0x1  }
0xa4: {  	[sflag:s23] =	ssyncset.done $0x0  }
0xa5: {  	s25 =	simm.s32 $0x1B8E;
	s24 =	sld [smem:$0x3FFE];
	[sflag:s23] =	ssyncadd.s32 $0xFFFFFFFF  }
0xa6: {  	s26 =	simm.s32 $execute0_lowered;
	[smem:$0x3FD2] =	sst s25  }
0xa7: {  	s6 =	sshll.u32 s26, $0x1;
	_ =	strace $0x80000046;
	[dreg:$0x1] =	wrdreg $0xFFFFFFFF  }
0xa8: {  	s28 =	simm.s32 $_size_execute0_lowered;
	s4 =	sadd.s32 s4, s6;
	[dreg:$0x0] =	wrdreg $0x0  }
0xa9: {  	s6 =	sshll.u32 s28, $0x1;
	[dreg:$0x2] =	wrdreg s4  }
0xaa: {  	[dreg:$0x3] =	wrdreg s6  }
0xab: {  	[dreg:$0x4] =	wrdreg $0xC0  }
0xac: {  	_ =	task [dreg:s8], $0x5FFFF  }
0xad: {  	[dreg:$0x1] =	wrdreg $0xFFFFFFFF  }
0xae: {  	[dreg:$0x0] =	wrdreg $0x60  }
0xaf: {  	[dreg:$0x2] =	wrdreg s2  }
0xb0: {  	[dreg:$0x3] =	wrdreg s18  }
0xb1: {  	[dreg:$0x4] =	wrdreg s24  }
0xb2: {  	[dreg:$0x5] =	wrdreg $0x9  }
0xb3: {  	_ =	task.clear_ibuf [dreg:s8], $0x6FFFF;
	_ =	strace $0x90000046  }
0xb4: {  	s29 =	simm.s32 $0x9;
	_ =	strace $0x80000048  }
0xb5: {  	_ =	swait.ge [sflag:s29], $0x1  }
0xb6: {  	[sflag:s29] =	ssyncadd.s32 $0xFFFFFFFF  }
0xb7: {  	_ =	strace $0x90000048  }
0xb8: {  	_ =	sfence  }
0xb9: {  	s30 =	sld [smem:$0x0];
	_ =	sdelay $0x2  }
0xba: {  	s31 =	sshll.u32 s1, $0xD;
	s1 =	sshrl.u32 s1, $0x2  }
0xbb: {  	s3 =	sand.u32 $0x4000, s31;
	s1 =	sadd.s32 s1, s30  }
0xbc: {  	s0 =	sor.u32 s3, s0;
	s1 =	sshll.u32 s1, $0x11  }
0xbd: {  	s0 =	sor.u32 s1, s0  }
0xbe: {  	s0 =	sadd.s32 $0x8F2B, s0  }
0xbf: {  	[sflag:s0] =	ssyncadd.remote.s32 $0x1  }
0xc0: {  	_ =	sfence.sel $0xFFFF  }
0xc1: {  	[dreg:$0x0] =	wrdreg $0xFFFFFFFF;
	(pc) =	sbr.abs _section_cstart, $3  }
0xc2: {  	[dreg:$0x1] =	wrdreg $0xFFFFFFFF  }
0xc3: {  	_ =	task.clear_ibuf [dreg:s8], $0x2FFFF;
	_ =	strace $0x9FFFFFFF  }
0xc4: {  	(tm) =	ssettm $0x7FFFFFFF  }
0xc5: {  	_ =	shalt  }
tec
execute0_lowered:
.L_overlay_start_1:
0x0: {  	(tag) =	ssettag $0x1  }
0x1: {  	s0 =	rddreg [dreg:$0x0]  }
0x2: {  	s2 =	rddreg [dreg:$0x1]  }
0x3: {  	s5 =	rddreg [dreg:$0x2];
	s1 =	simm.s32 $0x0;
	s4 =	srdreg.scid  }
0x4: {  	s6 =	stileid.u32;
	s10 =	simm.s32 $0x200;
	s11 =	simm.s32 $0x80  }
0x5: {  	s14 =	simm.s32 $0x2400;
	s15 =	simm.s32 $0x280;
	s16 =	simm.s32 $0xA400  }
0x6: {  	s17 =	simm.s32 $0x100;
	s18 =	simm.s32 $0x4400;
	s19 =	simm.s32 $0x300  }
0x7: {  	s20 =	simm.s32 $0xC400;
	s21 =	simm.s32 $0x180;
	s22 =	simm.s32 $0x6400  }
0x8: {  	v0 =	vlaneseq.u32;
	s23 =	simm.s32 $0x380;
	s24 =	simm.s32 $0xE400;
	s25 =	simm.s32 $0x1  }
0x9: {  	s26 =	simm.s32 $0x2;
	s28 =	simm.s32 $0x10400;
	s29 =	simm.s32 $0x10500;
	v0 =	vmul.u32 $0x10, v0  }
0xa: {  	s30 =	simm.s32 $0x0;
	[smem:$0x7FF] =	sst s1;
	s4 =	sand.u32 $0x1, s4  }
0xb: {  	s3 =	sadd.s32 $0xF42C00, s5;
	s6 =	sshll.u32 s6, $0x7;
	s7 =	sshll.u32 s4, $0x6;
	v1 =	vor.u32 $0x1, v0;
	v2 =	vor.u32 $0x2, v0;
	v3 =	vor.u32 $0x3, v0  }
0xc: {  	_ =	strace $0x80000047;
	s8 =	ssub.s32 $0x2, s4;
	s6 =	sor.u32 s7, s6;
	v4 =	vor.u32 $0x4, v0;
	v5 =	vor.u32 $0x5, v0;
	v6 =	vor.u32 $0x6, v0  }
0xd: {  	s4 =	sadd.s32 $0x16E3E00, s5;
	s31 =	sshrl.u32 s8, $0x1;
	v7 =	vor.u32 $0x7, v0;
	v8 =	vor.u32 $0x8, v0;
	v9 =	vor.u32 $0x9, v0;
	s9 =	sadd.s32 s6, s5  }
0xe: {  	v10 =	vor.u32 $0xA, v0;
	v11 =	vor.u32 $0xB, v0;
	v12 =	vor.u32 $0xC, v0;
	s8 =	ssub.s32 s8, s31;
	s5 =	sadd.s32 s0, s6;
	s6 =	sadd.s32 s2, s6  }
0xf: {  	v13 =	vor.u32 $0xD, v0;
	v14 =	vor.u32 $0xE, v0;
	v15 =	vor.u32 $0xF, v0;
	s7 =	sadd.s32 $0x800, s9;
	s8 =	smax.u32 s8, $0x1;
	s9 =	simm.s32 $0x3  }
.LBB2_1:
0x10: {  	[tilespmem:s1], [sflag:$0x3] =	stream.linear.gather [hbm4b:s5+s1], $0x200, $0x38;
	[tilespmem:$0x10700] =	vst v63  }
0x11: {  	_ =	swait.ge [sflag:s9], $0x200  }
0x12: {  	[sflag:s9] =	ssyncset.done $0x0  }
0x13: {  	[sflag:s9] =	ssyncadd.s32 $0xFFFFFE00  }
0x14: {  	[tilespmem:s10], [sflag:$0x3] =	stream.linear.gather [hbm4b:s6+s1], $0x200, $0x38;
	[tilespmem:$0x10700] =	vst v63  }
0x15: {  	_ =	swait.ge [sflag:s9], $0x200  }
0x16: {  	[sflag:s9] =	ssyncset.done $0x0  }
0x17: {  	s0 =	simm.s32 $0x400;
	[sflag:s9] =	ssyncadd.s32 $0xFFFFFE00  }
0x18: {  	[tilespmem:s0], [sflag:$0x1] =	stream.indirect.gather [hbm4b:s3+s11], $0x40, s1, s11, $0xb8;
	[tilespmem:$0x10700] =	vst v63  }
0x19: {  	s13 =	simm.s32 $0x8400  }
0x1a: {  	[tilespmem:s13], [sflag:$0x2] =	stream.indirect.gather [hbm4b:s4+s11], $0x40, s10, s11, $0xb8;
	[tilespmem:$0x10700] =	vst v63  }
0x1b: {  	_ = 	snop  }
0x1c: {  	[tilespmem:s14], [sflag:$0x1] =	stream.indirect.gather [hbm4b:s3+s11], $0x40, s11, s11, $0xb8;
	[tilespmem:$0x10700] =	vst v63  }
0x1d: {  	_ = 	snop  }
0x1e: {  	[tilespmem:s16], [sflag:$0x2] =	stream.indirect.gather [hbm4b:s4+s11], $0x40, s15, s11, $0xb8;
	[tilespmem:$0x10700] =	vst v63  }
0x1f: {  	_ = 	snop  }
0x20: {  	[tilespmem:s18], [sflag:$0x1] =	stream.indirect.gather [hbm4b:s3+s11], $0x40, s17, s11, $0xb8;
	[tilespmem:$0x10700] =	vst v63  }
0x21: {  	_ = 	snop  }
0x22: {  	[tilespmem:s20], [sflag:$0x2] =	stream.indirect.gather [hbm4b:s4+s11], $0x40, s19, s11, $0xb8;
	[tilespmem:$0x10700] =	vst v63  }
0x23: {  	_ = 	snop  }
0x24: {  	[tilespmem:s22], [sflag:$0x1] =	stream.indirect.gather [hbm4b:s3+s11], $0x40, s21, s11, $0xb8;
	[tilespmem:$0x10700] =	vst v63  }
0x25: {  	_ = 	snop  }
0x26: {  	[tilespmem:s24], [sflag:$0x2] =	stream.indirect.gather [hbm4b:s4+s11], $0x40, s23, s11, $0xb8;
	[tilespmem:$0x10700] =	vst v63  }
0x27: {  	_ =	swait.ge [sflag:s25], $0x2000  }
0x28: {  	[sflag:s25] =	ssyncset.done $0x0  }
0x29: {  	[sflag:s25] =	ssyncadd.s32 $0xFFFFE000  }
0x2a: {  	_ =	swait.ge [sflag:s26], $0x2000  }
0x2b: {  	[sflag:s26] =	ssyncset.done $0x0  }
0x2c: {  	[sflag:s26] =	ssyncadd.s32 $0xFFFFE000  }
0x2d: {  	_ =	swait.ge [sflag:s25], $0x2000  }
0x2e: {  	[sflag:s25] =	ssyncset.done $0x0  }
0x2f: {  	[sflag:s25] =	ssyncadd.s32 $0xFFFFE000  }
0x30: {  	_ =	swait.ge [sflag:s26], $0x2000  }
0x31: {  	[sflag:s26] =	ssyncset.done $0x0  }
0x32: {  	[sflag:s26] =	ssyncadd.s32 $0xFFFFE000  }
0x33: {  	_ =	swait.ge [sflag:s25], $0x2000  }
0x34: {  	[sflag:s25] =	ssyncset.done $0x0  }
0x35: {  	[sflag:s25] =	ssyncadd.s32 $0xFFFFE000  }
0x36: {  	_ =	swait.ge [sflag:s26], $0x2000  }
0x37: {  	[sflag:s26] =	ssyncset.done $0x0  }
0x38: {  	[sflag:s26] =	ssyncadd.s32 $0xFFFFE000  }
0x39: {  	_ =	swait.ge [sflag:s25], $0x2000  }
0x3a: {  	[sflag:s25] =	ssyncset.done $0x0  }
0x3b: {  	[sflag:s25] =	ssyncadd.s32 $0xFFFFE000  }
0x3c: {  	_ =	swait.ge [sflag:s26], $0x2000  }
0x3d: {  	[sflag:s26] =	ssyncset.done $0x0  }
0x3e: {  	s31 =	simm.s32 $0x0;
	[sflag:s26] =	ssyncadd.s32 $0xFFFFE000  }
0x3f: {  	v16 =	vld [tilespmem:s31+$0x8410]  }
0x40: {  	v17 =	vld [tilespmem:s31+$0x400]  }
0x41: {  	v18 =	vld [tilespmem:s31+$0x410]  }
0x42: {  	v19 =	vld [tilespmem:s31+$0x8400]  }
0x43: {  	v20 =	vld [tilespmem:s31+$0x8420]  }
0x44: {  	v21 =	vld [tilespmem:s31+$0x420]  }
0x45: {  	v22 =	vld [tilespmem:s31+$0x8430]  }
0x46: {  	v23 =	vld [tilespmem:s31+$0x430]  }
0x47: {  	v16 =	vmul.f32 v16, v18;
	v17 =	vmul.f32 v19, v17;
	_ =	sdelay $0x1  }
0x48: {  	v16 =	vadd.f32 v16, v17;
	v17 =	vmul.f32 v20, v21;
	_ =	sdelay $0x1  }
0x49: {  	v16 =	vadd.f32 v17, v16;
	v17 =	vmul.f32 v22, v23;
	_ =	sdelay $0x1  }
0x4a: {  	v16 =	vadd.f32 v17, v16;
	_ =	sdelay $0x1  }
0x4b: {  	[tilespmem:v0+s28+$0x0] =	vst.idx.msk $0xffff, v16  }
0x4c: {  	v16 =	vld [tilespmem:s31+$0x440]  }
0x4d: {  	v17 =	vld [tilespmem:s31+$0x8440]  }
0x4e: {  	v18 =	vld [tilespmem:s31+$0x450]  }
0x4f: {  	v19 =	vld [tilespmem:s31+$0x8450]  }
0x50: {  	v20 =	vld [tilespmem:s31+$0x8460]  }
0x51: {  	v62 =	vld [tilespmem:s31+$0x460]  }
0x52: {  	v63 =	vld [tilespmem:s31+$0x8470]  }
0x53: {  	v24 =	vld [tilespmem:s31+$0x470]  }
0x54: {  	v16 =	vmul.f32 v17, v16;
	v17 =	vmul.f32 v19, v18;
	_ =	sdelay $0x1  }
0x55: {  	v16 =	vadd.f32 v17, v16;
	v17 =	vmul.f32 v20, v62;
	_ =	sdelay $0x1  }
0x56: {  	v16 =	vadd.f32 v17, v16;
	v17 =	vmul.f32 v63, v24;
	_ =	sdelay $0x1  }
0x57: {  	v16 =	vadd.f32 v17, v16;
	_ =	sdelay $0x1  }
0x58: {  	[tilespmem:v1+s28+$0x0] =	vst.idx.msk $0xffff, v16  }
0x59: {  	v16 =	vld [tilespmem:s31+$0x8490]  }
0x5a: {  	v17 =	vld [tilespmem:s31+$0x480]  }
0x5b: {  	v18 =	vld [tilespmem:s31+$0x8480]  }
0x5c: {  	v19 =	vld [tilespmem:s31+$0x490]  }
0x5d: {  	v20 =	vld [tilespmem:s31+$0x84A0]  }
0x5e: {  	v25 =	vld [tilespmem:s31+$0x4A0]  }
0x5f: {  	v26 =	vld [tilespmem:s31+$0x84B0]  }
0x60: {  	v27 =	vld [tilespmem:s31+$0x4B0]  }
0x61: {  	v17 =	vmul.f32 v18, v17;
	v16 =	vmul.f32 v16, v19;
	_ =	sdelay $0x1  }
0x62: {  	v16 =	vadd.f32 v16, v17;
	v17 =	vmul.f32 v20, v25;
	_ =	sdelay $0x1  }
0x63: {  	v16 =	vadd.f32 v17, v16;
	v17 =	vmul.f32 v26, v27;
	_ =	sdelay $0x1  }
0x64: {  	v16 =	vadd.f32 v17, v16;
	_ =	sdelay $0x1  }
0x65: {  	[tilespmem:v2+s28+$0x0] =	vst.idx.msk $0xffff, v16  }
0x66: {  	v16 =	vld [tilespmem:s31+$0x84D0]  }
0x67: {  	v17 =	vld [tilespmem:s31+$0x4C0]  }
0x68: {  	v18 =	vld [tilespmem:s31+$0x84C0]  }
0x69: {  	v19 =	vld [tilespmem:s31+$0x4D0]  }
0x6a: {  	v20 =	vld [tilespmem:s31+$0x4E0]  }
0x6b: {  	v28 =	vld [tilespmem:s31+$0x84E0]  }
0x6c: {  	v29 =	vld [tilespmem:s31+$0x84F0]  }
0x6d: {  	v30 =	vld [tilespmem:s31+$0x4F0]  }
0x6e: {  	v17 =	vmul.f32 v18, v17;
	v16 =	vmul.f32 v16, v19;
	_ =	sdelay $0x1  }
0x6f: {  	v16 =	vadd.f32 v16, v17;
	v17 =	vmul.f32 v28, v20;
	_ =	sdelay $0x1  }
0x70: {  	v16 =	vadd.f32 v17, v16;
	v17 =	vmul.f32 v29, v30;
	_ =	sdelay $0x1  }
0x71: {  	v16 =	vadd.f32 v17, v16;
	_ =	sdelay $0x1  }
0x72: {  	[tilespmem:v3+s28+$0x0] =	vst.idx.msk $0xffff, v16  }
0x73: {  	v16 =	vld [tilespmem:s31+$0x8500]  }
0x74: {  	v17 =	vld [tilespmem:s31+$0x8510]  }
0x75: {  	v18 =	vld [tilespmem:s31+$0x500]  }
0x76: {  	v19 =	vld [tilespmem:s31+$0x510]  }
0x77: {  	v20 =	vld [tilespmem:s31+$0x520]  }
0x78: {  	v31 =	vld [tilespmem:s31+$0x8520]  }
0x79: {  	v32 =	vld [tilespmem:s31+$0x8530]  }
0x7a: {  	v33 =	vld [tilespmem:s31+$0x530]  }
0x7b: {  	v16 =	vmul.f32 v16, v18;
	v17 =	vmul.f32 v17, v19;
	_ =	sdelay $0x1  }
0x7c: {  	v16 =	vadd.f32 v17, v16;
	v17 =	vmul.f32 v31, v20;
	_ =	sdelay $0x1  }
0x7d: {  	v16 =	vadd.f32 v17, v16;
	v17 =	vmul.f32 v32, v33;
	_ =	sdelay $0x1  }
0x7e: {  	v16 =	vadd.f32 v17, v16;
	_ =	sdelay $0x1  }
0x7f: {  	[tilespmem:v4+s28+$0x0] =	vst.idx.msk $0xffff, v16  }
0x80: {  	v16 =	vld [tilespmem:s31+$0x8540]  }
0x81: {  	v17 =	vld [tilespmem:s31+$0x8550]  }
0x82: {  	v18 =	vld [tilespmem:s31+$0x540]  }
0x83: {  	v19 =	vld [tilespmem:s31+$0x550]  }
0x84: {  	v20 =	vld [tilespmem:s31+$0x560]  }
0x85: {  	v34 =	vld [tilespmem:s31+$0x8560]  }
0x86: {  	v35 =	vld [tilespmem:s31+$0x8570]  }
0x87: {  	v36 =	vld [tilespmem:s31+$0x570]  }
0x88: {  	v16 =	vmul.f32 v16, v18;
	v17 =	vmul.f32 v17, v19;
	_ =	sdelay $0x1  }
0x89: {  	v16 =	vadd.f32 v17, v16;
	v17 =	vmul.f32 v34, v20;
	_ =	sdelay $0x1  }
0x8a: {  	v16 =	vadd.f32 v17, v16;
	v17 =	vmul.f32 v35, v36;
	_ =	sdelay $0x1  }
0x8b: {  	v16 =	vadd.f32 v17, v16;
	_ =	sdelay $0x1  }
0x8c: {  	[tilespmem:v5+s28+$0x0] =	vst.idx.msk $0xffff, v16  }
0x8d: {  	v16 =	vld [tilespmem:s31+$0x8580]  }
0x8e: {  	v17 =	vld [tilespmem:s31+$0x8590]  }
0x8f: {  	v18 =	vld [tilespmem:s31+$0x590]  }
0x90: {  	v19 =	vld [tilespmem:s31+$0x580]  }
0x91: {  	v20 =	vld [tilespmem:s31+$0x85A0]  }
0x92: {  	v37 =	vld [tilespmem:s31+$0x5A0]  }
0x93: {  	v38 =	vld [tilespmem:s31+$0x85B0]  }
0x94: {  	v39 =	vld [tilespmem:s31+$0x5B0]  }
0x95: {  	v17 =	vmul.f32 v17, v18;
	v16 =	vmul.f32 v16, v19;
	_ =	sdelay $0x1  }
0x96: {  	v16 =	vadd.f32 v17, v16;
	v17 =	vmul.f32 v20, v37;
	_ =	sdelay $0x1  }
0x97: {  	v16 =	vadd.f32 v17, v16;
	v17 =	vmul.f32 v38, v39;
	_ =	sdelay $0x1  }
0x98: {  	v16 =	vadd.f32 v17, v16;
	_ =	sdelay $0x1  }
0x99: {  	[tilespmem:v6+s28+$0x0] =	vst.idx.msk $0xffff, v16  }
0x9a: {  	v16 =	vld [tilespmem:s31+$0x5C0]  }
0x9b: {  	v17 =	vld [tilespmem:s31+$0x85C0]  }
0x9c: {  	v18 =	vld [tilespmem:s31+$0x85D0]  }
0x9d: {  	v19 =	vld [tilespmem:s31+$0x5D0]  }
0x9e: {  	v20 =	vld [tilespmem:s31+$0x85E0]  }
0x9f: {  	v40 =	vld [tilespmem:s31+$0x5E0]  }
0xa0: {  	v41 =	vld [tilespmem:s31+$0x85F0]  }
0xa1: {  	v42 =	vld [tilespmem:s31+$0x5F0]  }
0xa2: {  	v16 =	vmul.f32 v17, v16;
	v17 =	vmul.f32 v18, v19;
	_ =	sdelay $0x1  }
0xa3: {  	v16 =	vadd.f32 v17, v16;
	v17 =	vmul.f32 v20, v40;
	_ =	sdelay $0x1  }
0xa4: {  	v16 =	vadd.f32 v17, v16;
	v17 =	vmul.f32 v41, v42;
	_ =	sdelay $0x1  }
0xa5: {  	v16 =	vadd.f32 v17, v16;
	_ =	sdelay $0x1  }
0xa6: {  	[tilespmem:v7+s28+$0x0] =	vst.idx.msk $0xffff, v16  }
0xa7: {  	v16 =	vld [tilespmem:s31+$0x8600]  }
0xa8: {  	v17 =	vld [tilespmem:s31+$0x8610]  }
0xa9: {  	v18 =	vld [tilespmem:s31+$0x600]  }
0xaa: {  	v19 =	vld [tilespmem:s31+$0x610]  }
0xab: {  	v20 =	vld [tilespmem:s31+$0x8620]  }
0xac: {  	v43 =	vld [tilespmem:s31+$0x620]  }
0xad: {  	v44 =	vld [tilespmem:s31+$0x8630]  }
0xae: {  	v45 =	vld [tilespmem:s31+$0x630]  }
0xaf: {  	v16 =	vmul.f32 v16, v18;
	v17 =	vmul.f32 v17, v19;
	_ =	sdelay $0x1  }
0xb0: {  	v16 =	vadd.f32 v17, v16;
	v17 =	vmul.f32 v20, v43;
	_ =	sdelay $0x1  }
0xb1: {  	v16 =	vadd.f32 v17, v16;
	v17 =	vmul.f32 v44, v45;
	_ =	sdelay $0x1  }
0xb2: {  	v16 =	vadd.f32 v17, v16;
	_ =	sdelay $0x1  }
0xb3: {  	[tilespmem:v8+s28+$0x0] =	vst.idx.msk $0xffff, v16  }
0xb4: {  	v16 =	vld [tilespmem:s31+$0x8640]  }
0xb5: {  	v17 =	vld [tilespmem:s31+$0x8650]  }
0xb6: {  	v18 =	vld [tilespmem:s31+$0x650]  }
0xb7: {  	v19 =	vld [tilespmem:s31+$0x640]  }
0xb8: {  	v20 =	vld [tilespmem:s31+$0x660]  }
0xb9: {  	v46 =	vld [tilespmem:s31+$0x8660]  }
0xba: {  	v47 =	vld [tilespmem:s31+$0x670]  }
0xbb: {  	v48 =	vld [tilespmem:s31+$0x8670]  }
0xbc: {  	v17 =	vmul.f32 v17, v18;
	v16 =	vmul.f32 v16, v19;
	_ =	sdelay $0x1  }
0xbd: {  	v16 =	vadd.f32 v17, v16;
	v17 =	vmul.f32 v46, v20;
	_ =	sdelay $0x1  }
0xbe: {  	v16 =	vadd.f32 v17, v16;
	v17 =	vmul.f32 v48, v47;
	_ =	sdelay $0x1  }
0xbf: {  	v16 =	vadd.f32 v17, v16;
	_ =	sdelay $0x1  }
0xc0: {  	[tilespmem:v9+s28+$0x0] =	vst.idx.msk $0xffff, v16  }
0xc1: {  	v16 =	vld [tilespmem:s31+$0x8690]  }
0xc2: {  	v17 =	vld [tilespmem:s31+$0x8680]  }
0xc3: {  	v18 =	vld [tilespmem:s31+$0x680]  }
0xc4: {  	v19 =	vld [tilespmem:s31+$0x690]  }
0xc5: {  	v20 =	vld [tilespmem:s31+$0x6A0]  }
0xc6: {  	v49 =	vld [tilespmem:s31+$0x86A0]  }
0xc7: {  	v50 =	vld [tilespmem:s31+$0x6B0]  }
0xc8: {  	v51 =	vld [tilespmem:s31+$0x86B0]  }
0xc9: {  	v17 =	vmul.f32 v17, v18;
	v16 =	vmul.f32 v16, v19;
	_ =	sdelay $0x1  }
0xca: {  	v16 =	vadd.f32 v16, v17;
	v17 =	vmul.f32 v49, v20;
	_ =	sdelay $0x1  }
0xcb: {  	v16 =	vadd.f32 v17, v16;
	v17 =	vmul.f32 v51, v50;
	_ =	sdelay $0x1  }
0xcc: {  	v16 =	vadd.f32 v17, v16;
	_ =	sdelay $0x1  }
0xcd: {  	[tilespmem:v10+s28+$0x0] =	vst.idx.msk $0xffff, v16  }
0xce: {  	v16 =	vld [tilespmem:s31+$0x86C0]  }
0xcf: {  	v17 =	vld [tilespmem:s31+$0x86D0]  }
0xd0: {  	v18 =	vld [tilespmem:s31+$0x6C0]  }
0xd1: {  	v19 =	vld [tilespmem:s31+$0x6D0]  }
0xd2: {  	v20 =	vld [tilespmem:s31+$0x6E0]  }
0xd3: {  	v52 =	vld [tilespmem:s31+$0x86E0]  }
0xd4: {  	v53 =	vld [tilespmem:s31+$0x6F0]  }
0xd5: {  	v54 =	vld [tilespmem:s31+$0x86F0]  }
0xd6: {  	v16 =	vmul.f32 v16, v18;
	v17 =	vmul.f32 v17, v19;
	_ =	sdelay $0x1  }
0xd7: {  	v16 =	vadd.f32 v17, v16;
	v17 =	vmul.f32 v52, v20;
	_ =	sdelay $0x1  }
0xd8: {  	v16 =	vadd.f32 v17, v16;
	v17 =	vmul.f32 v54, v53;
	_ =	sdelay $0x1  }
0xd9: {  	v16 =	vadd.f32 v17, v16;
	_ =	sdelay $0x1  }
0xda: {  	[tilespmem:v11+s28+$0x0] =	vst.idx.msk $0xffff, v16  }
0xdb: {  	v16 =	vld [tilespmem:s31+$0x8700]  }
0xdc: {  	v17 =	vld [tilespmem:s31+$0x8710]  }
0xdd: {  	v18 =	vld [tilespmem:s31+$0x700]  }
0xde: {  	v19 =	vld [tilespmem:s31+$0x710]  }
0xdf: {  	v20 =	vld [tilespmem:s31+$0x720]  }
0xe0: {  	v55 =	vld [tilespmem:s31+$0x8720]  }
0xe1: {  	v56 =	vld [tilespmem:s31+$0x730]  }
0xe2: {  	v57 =	vld [tilespmem:s31+$0x8730]  }
0xe3: {  	v16 =	vmul.f32 v16, v18;
	v17 =	vmul.f32 v17, v19;
	_ =	sdelay $0x1  }
0xe4: {  	v16 =	vadd.f32 v17, v16;
	v17 =	vmul.f32 v55, v20;
	_ =	sdelay $0x1  }
0xe5: {  	v16 =	vadd.f32 v17, v16;
	v17 =	vmul.f32 v57, v56;
	_ =	sdelay $0x1  }
0xe6: {  	v16 =	vadd.f32 v17, v16;
	_ =	sdelay $0x1  }
0xe7: {  	[tilespmem:v12+s28+$0x0] =	vst.idx.msk $0xffff, v16  }
0xe8: {  	v16 =	vld [tilespmem:s31+$0x8740]  }
0xe9: {  	v17 =	vld [tilespmem:s31+$0x8750]  }
0xea: {  	v18 =	vld [tilespmem:s31+$0x740]  }
0xeb: {  	v19 =	vld [tilespmem:s31+$0x750]  }
0xec: {  	v20 =	vld [tilespmem:s31+$0x760]  }
0xed: {  	v58 =	vld [tilespmem:s31+$0x8760]  }
0xee: {  	v59 =	vld [tilespmem:s31+$0x770]  }
0xef: {  	v60 =	vld [tilespmem:s31+$0x8770]  }
0xf0: {  	v16 =	vmul.f32 v16, v18;
	v17 =	vmul.f32 v17, v19;
	_ =	sdelay $0x1  }
0xf1: {  	v16 =	vadd.f32 v17, v16;
	v17 =	vmul.f32 v58, v20;
	_ =	sdelay $0x1  }
0xf2: {  	v16 =	vadd.f32 v17, v16;
	v17 =	vmul.f32 v60, v59;
	_ =	sdelay $0x1  }
0xf3: {  	v16 =	vadd.f32 v17, v16;
	_ =	sdelay $0x1  }
0xf4: {  	[tilespmem:v13+s28+$0x0] =	vst.idx.msk $0xffff, v16  }
0xf5: {  	v16 =	vld [tilespmem:s31+$0x8780]  }
0xf6: {  	v17 =	vld [tilespmem:s31+$0x8790]  }
0xf7: {  	v18 =	vld [tilespmem:s31+$0x780]  }
0xf8: {  	v19 =	vld [tilespmem:s31+$0x790]  }
0xf9: {  	v20 =	vld [tilespmem:s31+$0x7A0]  }
0xfa: {  	v61 =	vld [tilespmem:s31+$0x87A0]  }
0xfb: {  	v62 =	vld [tilespmem:s31+$0x7B0]  }
0xfc: {  	v63 =	vld [tilespmem:s31+$0x87B0]  }
0xfd: {  	v16 =	vmul.f32 v16, v18;
	v17 =	vmul.f32 v17, v19;
	_ =	sdelay $0x1  }
0xfe: {  	v16 =	vadd.f32 v17, v16;
	v17 =	vmul.f32 v61, v20;
	_ =	sdelay $0x1  }
0xff: {  	v16 =	vadd.f32 v17, v16;
	v17 =	vmul.f32 v63, v62;
	_ =	sdelay $0x1  }
0x100: {  	v16 =	vadd.f32 v17, v16;
	_ =	sdelay $0x1  }
0x101: {  	[tilespmem:v14+s28+$0x0] =	vst.idx.msk $0xffff, v16  }
0x102: {  	v16 =	vld [tilespmem:s31+$0x87C0]  }
0x103: {  	v18 =	vld [tilespmem:s31+$0x7C0]  }
0x104: {  	v17 =	vld [tilespmem:s31+$0x87D0]  }
0x105: {  	s2 =	simm.s32 $0x1000;
	s12 =	simm.s32 $0x10500;
	s0 =	simm.s32 $0x10500;
	v19 =	vld [tilespmem:s31+$0x7D0]  }
.LBB2_2:
0x106: {  	p0 =	sne.s32 s2, $0x1F000  }
0x107: {  	v20 =	vld [tilespmem:s31+$0x7E0];
	s12 =	sadd.s32 $0x10, s12;
	s13 =	smov.u32 s2;
	s2 =	sadd.s32 $0x1000, s2  }
0x108: {  	v21 =	vld [tilespmem:s31+$0x87E0]  }
0x109: {  	v16 =	vmul.f32 v16, v18;
	v18 =	vld [tilespmem:s31+$0x7F0]  }
0x10a: {  	v22 =	vld [tilespmem:s31+$0x87F0]  }
0x10b: {  	v17 =	vmul.f32 v17, v19;
	_ =	sdelay $0x1  }
0x10c: {  	v16 =	vadd.f32 v17, v16;
	v17 =	vmul.f32 v21, v20;
	_ =	sdelay $0x1  }
0x10d: {  	v16 =	vadd.f32 v17, v16;
	v17 =	vmul.f32 v22, v18;
	_ =	sdelay $0x1  }
0x10e: {  	v16 =	vadd.f32 v17, v16;
	_ =	sdelay $0x1  }
0x10f: {  	[tilespmem:v15+s28+$0x0] =	vst.idx.msk $0xffff, v16  }
0x110: {  	v16 =	vld [tilespmem:$0x10400]  }
0x111: {  	v17 =	vld [tilespmem:$0x10410]  }
0x112: {  	v18 =	vld [tilespmem:$0x10420]  }
0x113: {  	v19 =	vld [tilespmem:$0x10430]  }
0x114: {  	v20 =	vld [tilespmem:$0x10440]  }
0x115: {  	v21 =	vld [tilespmem:$0x10450]  }
0x116: {  	v16 =	vadd.f32 v17, v16;
	v17 =	vld [tilespmem:$0x10460]  }
0x117: {  	v22 =	vld [tilespmem:$0x10470]  }
0x118: {  	v16 =	vadd.f32 v18, v16;
	v18 =	vld [tilespmem:$0x10480]  }
0x119: {  	v23 =	vld [tilespmem:$0x10490]  }
0x11a: {  	v16 =	vadd.f32 v19, v16;
	v19 =	vld [tilespmem:$0x104A0]  }
0x11b: {  	v24 =	vld [tilespmem:$0x104B0]  }
0x11c: {  	v16 =	vadd.f32 v20, v16;
	v20 =	vld [tilespmem:$0x104C0]  }
0x11d: {  	v25 =	vld [tilespmem:$0x104D0]  }
0x11e: {  	v16 =	vadd.f32 v21, v16;
	v21 =	vld [tilespmem:$0x104E0]  }
0x11f: {  	v26 =	vld [tilespmem:$0x104F0]  }
0x120: {  	v16 =	vadd.f32 v17, v16;
	_ =	sdelay $0x1  }
0x121: {  	v16 =	vadd.f32 v22, v16;
	_ =	sdelay $0x1  }
0x122: {  	v16 =	vadd.f32 v18, v16;
	_ =	sdelay $0x1  }
0x123: {  	v16 =	vadd.f32 v23, v16;
	_ =	sdelay $0x1  }
0x124: {  	v16 =	vadd.f32 v19, v16;
	_ =	sdelay $0x1  }
0x125: {  	v16 =	vadd.f32 v24, v16;
	_ =	sdelay $0x1  }
0x126: {  	v16 =	vadd.f32 v20, v16;
	_ =	sdelay $0x1  }
0x127: {  	v16 =	vadd.f32 v25, v16;
	_ =	sdelay $0x1  }
0x128: {  	v16 =	vadd.f32 v21, v16;
	_ =	sdelay $0x1  }
0x129: {  	v16 =	vadd.f32 v26, v16;
	_ =	sdelay $0x1  }
0x12a: {  	s31 =	sshra.s32 s13, $0x2;
	[tilespmem:s0+$0x0] =	vst v16;
	s0 =	smov.u32 s12  }
0x12b: {  	v16 =	vld [tilespmem:s31+$0x8410]  }
0x12c: {  	v17 =	vld [tilespmem:s31+$0x400]  }
0x12d: {  	v18 =	vld [tilespmem:s31+$0x410]  }
0x12e: {  	v19 =	vld [tilespmem:s31+$0x8400]  }
0x12f: {  	v20 =	vld [tilespmem:s31+$0x8420]  }
0x130: {  	v21 =	vld [tilespmem:s31+$0x420]  }
0x131: {  	v22 =	vld [tilespmem:s31+$0x8430]  }
0x132: {  	v16 =	vmul.f32 v16, v18;
	v18 =	vld [tilespmem:s31+$0x430]  }
0x133: {  	v17 =	vmul.f32 v19, v17;
	_ =	sdelay $0x1  }
0x134: {  	v16 =	vadd.f32 v16, v17;
	v17 =	vmul.f32 v20, v21;
	_ =	sdelay $0x1  }
0x135: {  	v16 =	vadd.f32 v17, v16;
	v17 =	vmul.f32 v22, v18;
	_ =	sdelay $0x1  }
0x136: {  	v16 =	vadd.f32 v17, v16;
	_ =	sdelay $0x1  }
0x137: {  	[tilespmem:v0+s28+$0x0] =	vst.idx.msk $0xffff, v16  }
0x138: {  	v16 =	vld [tilespmem:s31+$0x440]  }
0x139: {  	v17 =	vld [tilespmem:s31+$0x8440]  }
0x13a: {  	v18 =	vld [tilespmem:s31+$0x450]  }
0x13b: {  	v19 =	vld [tilespmem:s31+$0x8450]  }
0x13c: {  	v20 =	vld [tilespmem:s31+$0x8460]  }
0x13d: {  	v21 =	vld [tilespmem:s31+$0x460]  }
0x13e: {  	v16 =	vmul.f32 v17, v16;
	v17 =	vld [tilespmem:s31+$0x8470]  }
0x13f: {  	v22 =	vld [tilespmem:s31+$0x470]  }
0x140: {  	v18 =	vmul.f32 v19, v18;
	_ =	sdelay $0x1  }
0x141: {  	v16 =	vadd.f32 v18, v16;
	v18 =	vmul.f32 v20, v21;
	_ =	sdelay $0x1  }
0x142: {  	v16 =	vadd.f32 v18, v16;
	v17 =	vmul.f32 v17, v22;
	_ =	sdelay $0x1  }
0x143: {  	v16 =	vadd.f32 v17, v16;
	_ =	sdelay $0x1  }
0x144: {  	[tilespmem:v1+s28+$0x0] =	vst.idx.msk $0xffff, v16  }
0x145: {  	v16 =	vld [tilespmem:s31+$0x8490]  }
0x146: {  	v17 =	vld [tilespmem:s31+$0x480]  }
0x147: {  	v18 =	vld [tilespmem:s31+$0x8480]  }
0x148: {  	v19 =	vld [tilespmem:s31+$0x490]  }
0x149: {  	v20 =	vld [tilespmem:s31+$0x84A0]  }
0x14a: {  	v21 =	vld [tilespmem:s31+$0x4A0]  }
0x14b: {  	v22 =	vld [tilespmem:s31+$0x84B0]  }
0x14c: {  	v17 =	vmul.f32 v18, v17;
	v18 =	vld [tilespmem:s31+$0x4B0]  }
0x14d: {  	v16 =	vmul.f32 v16, v19;
	_ =	sdelay $0x1  }
0x14e: {  	v16 =	vadd.f32 v16, v17;
	v17 =	vmul.f32 v20, v21;
	_ =	sdelay $0x1  }
0x14f: {  	v16 =	vadd.f32 v17, v16;
	v17 =	vmul.f32 v22, v18;
	_ =	sdelay $0x1  }
0x150: {  	v16 =	vadd.f32 v17, v16;
	_ =	sdelay $0x1  }
0x151: {  	[tilespmem:v2+s28+$0x0] =	vst.idx.msk $0xffff, v16  }
0x152: {  	v16 =	vld [tilespmem:s31+$0x84D0]  }
0x153: {  	v17 =	vld [tilespmem:s31+$0x4C0]  }
0x154: {  	v18 =	vld [tilespmem:s31+$0x84C0]  }
0x155: {  	v19 =	vld [tilespmem:s31+$0x4D0]  }
0x156: {  	v20 =	vld [tilespmem:s31+$0x4E0]  }
0x157: {  	v21 =	vld [tilespmem:s31+$0x84E0]  }
0x158: {  	v22 =	vld [tilespmem:s31+$0x84F0]  }
0x159: {  	v17 =	vmul.f32 v18, v17;
	v18 =	vld [tilespmem:s31+$0x4F0]  }
0x15a: {  	v16 =	vmul.f32 v16, v19;
	_ =	sdelay $0x1  }
0x15b: {  	v16 =	vadd.f32 v16, v17;
	v17 =	vmul.f32 v21, v20;
	_ =	sdelay $0x1  }
0x15c: {  	v16 =	vadd.f32 v17, v16;
	v17 =	vmul.f32 v22, v18;
	_ =	sdelay $0x1  }
0x15d: {  	v16 =	vadd.f32 v17, v16;
	_ =	sdelay $0x1  }
0x15e: {  	[tilespmem:v3+s28+$0x0] =	vst.idx.msk $0xffff, v16  }
0x15f: {  	v16 =	vld [tilespmem:s31+$0x8500]  }
0x160: {  	v17 =	vld [tilespmem:s31+$0x8510]  }
0x161: {  	v18 =	vld [tilespmem:s31+$0x500]  }
0x162: {  	v19 =	vld [tilespmem:s31+$0x510]  }
0x163: {  	v20 =	vld [tilespmem:s31+$0x520]  }
0x164: {  	v21 =	vld [tilespmem:s31+$0x8520]  }
0x165: {  	v22 =	vld [tilespmem:s31+$0x8530]  }
0x166: {  	v16 =	vmul.f32 v16, v18;
	v18 =	vld [tilespmem:s31+$0x530]  }
0x167: {  	v17 =	vmul.f32 v17, v19;
	_ =	sdelay $0x1  }
0x168: {  	v16 =	vadd.f32 v17, v16;
	v17 =	vmul.f32 v21, v20;
	_ =	sdelay $0x1  }
0x169: {  	v16 =	vadd.f32 v17, v16;
	v17 =	vmul.f32 v22, v18;
	_ =	sdelay $0x1  }
0x16a: {  	v16 =	vadd.f32 v17, v16;
	_ =	sdelay $0x1  }
0x16b: {  	[tilespmem:v4+s28+$0x0] =	vst.idx.msk $0xffff, v16  }
0x16c: {  	v16 =	vld [tilespmem:s31+$0x8540]  }
0x16d: {  	v17 =	vld [tilespmem:s31+$0x8550]  }
0x16e: {  	v18 =	vld [tilespmem:s31+$0x540]  }
0x16f: {  	v19 =	vld [tilespmem:s31+$0x550]  }
0x170: {  	v20 =	vld [tilespmem:s31+$0x560]  }
0x171: {  	v21 =	vld [tilespmem:s31+$0x8560]  }
0x172: {  	v22 =	vld [tilespmem:s31+$0x8570]  }
0x173: {  	v16 =	vmul.f32 v16, v18;
	v18 =	vld [tilespmem:s31+$0x570]  }
0x174: {  	v17 =	vmul.f32 v17, v19;
	_ =	sdelay $0x1  }
0x175: {  	v16 =	vadd.f32 v17, v16;
	v17 =	vmul.f32 v21, v20;
	_ =	sdelay $0x1  }
0x176: {  	v16 =	vadd.f32 v17, v16;
	v17 =	vmul.f32 v22, v18;
	_ =	sdelay $0x1  }
0x177: {  	v16 =	vadd.f32 v17, v16;
	_ =	sdelay $0x1  }
0x178: {  	[tilespmem:v5+s28+$0x0] =	vst.idx.msk $0xffff, v16  }
0x179: {  	v16 =	vld [tilespmem:s31+$0x8580]  }
0x17a: {  	v17 =	vld [tilespmem:s31+$0x8590]  }
0x17b: {  	v18 =	vld [tilespmem:s31+$0x590]  }
0x17c: {  	v19 =	vld [tilespmem:s31+$0x580]  }
0x17d: {  	v20 =	vld [tilespmem:s31+$0x85A0]  }
0x17e: {  	v21 =	vld [tilespmem:s31+$0x5A0]  }
0x17f: {  	v22 =	vld [tilespmem:s31+$0x85B0]  }
0x180: {  	v17 =	vmul.f32 v17, v18;
	v18 =	vld [tilespmem:s31+$0x5B0]  }
0x181: {  	v16 =	vmul.f32 v16, v19;
	_ =	sdelay $0x1  }
0x182: {  	v16 =	vadd.f32 v17, v16;
	v17 =	vmul.f32 v20, v21;
	_ =	sdelay $0x1  }
0x183: {  	v16 =	vadd.f32 v17, v16;
	v17 =	vmul.f32 v22, v18;
	_ =	sdelay $0x1  }
0x184: {  	v16 =	vadd.f32 v17, v16;
	_ =	sdelay $0x1  }
0x185: {  	[tilespmem:v6+s28+$0x0] =	vst.idx.msk $0xffff, v16  }
0x186: {  	v16 =	vld [tilespmem:s31+$0x5C0]  }
0x187: {  	v17 =	vld [tilespmem:s31+$0x85C0]  }
0x188: {  	v18 =	vld [tilespmem:s31+$0x85D0]  }
0x189: {  	v19 =	vld [tilespmem:s31+$0x5D0]  }
0x18a: {  	v20 =	vld [tilespmem:s31+$0x85E0]  }
0x18b: {  	v21 =	vld [tilespmem:s31+$0x5E0]  }
0x18c: {  	v16 =	vmul.f32 v17, v16;
	v17 =	vld [tilespmem:s31+$0x85F0]  }
0x18d: {  	v22 =	vld [tilespmem:s31+$0x5F0]  }
0x18e: {  	v18 =	vmul.f32 v18, v19;
	_ =	sdelay $0x1  }
0x18f: {  	v16 =	vadd.f32 v18, v16;
	v18 =	vmul.f32 v20, v21;
	_ =	sdelay $0x1  }
0x190: {  	v16 =	vadd.f32 v18, v16;
	v17 =	vmul.f32 v17, v22;
	_ =	sdelay $0x1  }
0x191: {  	v16 =	vadd.f32 v17, v16;
	_ =	sdelay $0x1  }
0x192: {  	[tilespmem:v7+s28+$0x0] =	vst.idx.msk $0xffff, v16  }
0x193: {  	v16 =	vld [tilespmem:s31+$0x8600]  }
0x194: {  	v17 =	vld [tilespmem:s31+$0x8610]  }
0x195: {  	v18 =	vld [tilespmem:s31+$0x600]  }
0x196: {  	v19 =	vld [tilespmem:s31+$0x610]  }
0x197: {  	v20 =	vld [tilespmem:s31+$0x8620]  }
0x198: {  	v21 =	vld [tilespmem:s31+$0x620]  }
0x199: {  	v22 =	vld [tilespmem:s31+$0x8630]  }
0x19a: {  	v16 =	vmul.f32 v16, v18;
	v18 =	vld [tilespmem:s31+$0x630]  }
0x19b: {  	v17 =	vmul.f32 v17, v19;
	_ =	sdelay $0x1  }
0x19c: {  	v16 =	vadd.f32 v17, v16;
	v17 =	vmul.f32 v20, v21;
	_ =	sdelay $0x1  }
0x19d: {  	v16 =	vadd.f32 v17, v16;
	v17 =	vmul.f32 v22, v18;
	_ =	sdelay $0x1  }
0x19e: {  	v16 =	vadd.f32 v17, v16;
	_ =	sdelay $0x1  }
0x19f: {  	[tilespmem:v8+s28+$0x0] =	vst.idx.msk $0xffff, v16  }
0x1a0: {  	v16 =	vld [tilespmem:s31+$0x8640]  }
0x1a1: {  	v17 =	vld [tilespmem:s31+$0x8650]  }
0x1a2: {  	v18 =	vld [tilespmem:s31+$0x650]  }
0x1a3: {  	v19 =	vld [tilespmem:s31+$0x640]  }
0x1a4: {  	v20 =	vld [tilespmem:s31+$0x660]  }
0x1a5: {  	v21 =	vld [tilespmem:s31+$0x8660]  }
0x1a6: {  	v22 =	vld [tilespmem:s31+$0x670]  }
0x1a7: {  	v17 =	vmul.f32 v17, v18;
	v18 =	vld [tilespmem:s31+$0x8670]  }
0x1a8: {  	v16 =	vmul.f32 v16, v19;
	_ =	sdelay $0x1  }
0x1a9: {  	v16 =	vadd.f32 v17, v16;
	v17 =	vmul.f32 v21, v20;
	_ =	sdelay $0x1  }
0x1aa: {  	v16 =	vadd.f32 v17, v16;
	v17 =	vmul.f32 v18, v22;
	_ =	sdelay $0x1  }
0x1ab: {  	v16 =	vadd.f32 v17, v16;
	_ =	sdelay $0x1  }
0x1ac: {  	[tilespmem:v9+s28+$0x0] =	vst.idx.msk $0xffff, v16  }
0x1ad: {  	v16 =	vld [tilespmem:s31+$0x8690]  }
0x1ae: {  	v17 =	vld [tilespmem:s31+$0x8680]  }
0x1af: {  	v18 =	vld [tilespmem:s31+$0x680]  }
0x1b0: {  	v19 =	vld [tilespmem:s31+$0x690]  }
0x1b1: {  	v20 =	vld [tilespmem:s31+$0x6A0]  }
0x1b2: {  	v21 =	vld [tilespmem:s31+$0x86A0]  }
0x1b3: {  	v22 =	vld [tilespmem:s31+$0x6B0]  }
0x1b4: {  	v17 =	vmul.f32 v17, v18;
	v18 =	vld [tilespmem:s31+$0x86B0]  }
0x1b5: {  	v16 =	vmul.f32 v16, v19;
	_ =	sdelay $0x1  }
0x1b6: {  	v16 =	vadd.f32 v16, v17;
	v17 =	vmul.f32 v21, v20;
	_ =	sdelay $0x1  }
0x1b7: {  	v16 =	vadd.f32 v17, v16;
	v17 =	vmul.f32 v18, v22;
	_ =	sdelay $0x1  }
0x1b8: {  	v16 =	vadd.f32 v17, v16;
	_ =	sdelay $0x1  }
0x1b9: {  	[tilespmem:v10+s28+$0x0] =	vst.idx.msk $0xffff, v16  }
0x1ba: {  	v16 =	vld [tilespmem:s31+$0x86C0]  }
0x1bb: {  	v17 =	vld [tilespmem:s31+$0x86D0]  }
0x1bc: {  	v18 =	vld [tilespmem:s31+$0x6C0]  }
0x1bd: {  	v19 =	vld [tilespmem:s31+$0x6D0]  }
0x1be: {  	v20 =	vld [tilespmem:s31+$0x6E0]  }
0x1bf: {  	v21 =	vld [tilespmem:s31+$0x86E0]  }
0x1c0: {  	v22 =	vld [tilespmem:s31+$0x6F0]  }
0x1c1: {  	v16 =	vmul.f32 v16, v18;
	v18 =	vld [tilespmem:s31+$0x86F0]  }
0x1c2: {  	v17 =	vmul.f32 v17, v19;
	_ =	sdelay $0x1  }
0x1c3: {  	v16 =	vadd.f32 v17, v16;
	v17 =	vmul.f32 v21, v20;
	_ =	sdelay $0x1  }
0x1c4: {  	v16 =	vadd.f32 v17, v16;
	v17 =	vmul.f32 v18, v22;
	_ =	sdelay $0x1  }
0x1c5: {  	v16 =	vadd.f32 v17, v16;
	_ =	sdelay $0x1  }
0x1c6: {  	[tilespmem:v11+s28+$0x0] =	vst.idx.msk $0xffff, v16  }
0x1c7: {  	v16 =	vld [tilespmem:s31+$0x8700]  }
0x1c8: {  	v17 =	vld [tilespmem:s31+$0x8710]  }
0x1c9: {  	v18 =	vld [tilespmem:s31+$0x700]  }
0x1ca: {  	v19 =	vld [tilespmem:s31+$0x710]  }
0x1cb: {  	v20 =	vld [tilespmem:s31+$0x720]  }
0x1cc: {  	v21 =	vld [tilespmem:s31+$0x8720]  }
0x1cd: {  	v22 =	vld [tilespmem:s31+$0x730]  }
0x1ce: {  	v16 =	vmul.f32 v16, v18;
	v18 =	vld [tilespmem:s31+$0x8730]  }
0x1cf: {  	v17 =	vmul.f32 v17, v19;
	_ =	sdelay $0x1  }
0x1d0: {  	v16 =	vadd.f32 v17, v16;
	v17 =	vmul.f32 v21, v20;
	_ =	sdelay $0x1  }
0x1d1: {  	v16 =	vadd.f32 v17, v16;
	v17 =	vmul.f32 v18, v22;
	_ =	sdelay $0x1  }
0x1d2: {  	v16 =	vadd.f32 v17, v16;
	_ =	sdelay $0x1  }
0x1d3: {  	[tilespmem:v12+s28+$0x0] =	vst.idx.msk $0xffff, v16  }
0x1d4: {  	v16 =	vld [tilespmem:s31+$0x8740]  }
0x1d5: {  	v17 =	vld [tilespmem:s31+$0x8750]  }
0x1d6: {  	v18 =	vld [tilespmem:s31+$0x740]  }
0x1d7: {  	v19 =	vld [tilespmem:s31+$0x750]  }
0x1d8: {  	v20 =	vld [tilespmem:s31+$0x760]  }
0x1d9: {  	v21 =	vld [tilespmem:s31+$0x8760]  }
0x1da: {  	v22 =	vld [tilespmem:s31+$0x770]  }
0x1db: {  	v16 =	vmul.f32 v16, v18;
	v18 =	vld [tilespmem:s31+$0x8770]  }
0x1dc: {  	v17 =	vmul.f32 v17, v19;
	_ =	sdelay $0x1  }
0x1dd: {  	v16 =	vadd.f32 v17, v16;
	v17 =	vmul.f32 v21, v20;
	_ =	sdelay $0x1  }
0x1de: {  	v16 =	vadd.f32 v17, v16;
	v17 =	vmul.f32 v18, v22;
	_ =	sdelay $0x1  }
0x1df: {  	v16 =	vadd.f32 v17, v16;
	_ =	sdelay $0x1  }
0x1e0: {  	[tilespmem:v13+s28+$0x0] =	vst.idx.msk $0xffff, v16  }
0x1e1: {  	v16 =	vld [tilespmem:s31+$0x8780]  }
0x1e2: {  	v17 =	vld [tilespmem:s31+$0x8790]  }
0x1e3: {  	v18 =	vld [tilespmem:s31+$0x780]  }
0x1e4: {  	v19 =	vld [tilespmem:s31+$0x790]  }
0x1e5: {  	v20 =	vld [tilespmem:s31+$0x7A0]  }
0x1e6: {  	v21 =	vld [tilespmem:s31+$0x87A0]  }
0x1e7: {  	v22 =	vld [tilespmem:s31+$0x7B0]  }
0x1e8: {  	v16 =	vmul.f32 v16, v18;
	v18 =	vld [tilespmem:s31+$0x87B0]  }
0x1e9: {  	v17 =	vmul.f32 v17, v19;
	_ =	sdelay $0x1  }
0x1ea: {  	v16 =	vadd.f32 v17, v16;
	v17 =	vmul.f32 v21, v20;
	_ =	sdelay $0x1  }
0x1eb: {  	v16 =	vadd.f32 v17, v16;
	v17 =	vmul.f32 v18, v22;
	_ =	sdelay $0x1  }
0x1ec: {  	v16 =	vadd.f32 v17, v16;
	_ =	sdelay $0x1  }
.Ltmp0:
0x1ed: {  	[tilespmem:v14+s28+$0x0] =	vst.idx.msk $0xffff, v16;
	(pc) =	sbr.rel @p0 .LBB2_2-.Ltmp0, $4  }
0x1ee: {  	v16 =	vld [tilespmem:s31+$0x87C0]  }
0x1ef: {  	v18 =	vld [tilespmem:s31+$0x7C0]  }
0x1f0: {  	v17 =	vld [tilespmem:s31+$0x87D0]  }
0x1f1: {  	v19 =	vld [tilespmem:s31+$0x7D0]  }
0x1f2: {  	v20 =	vld [tilespmem:s31+$0x7E0]  }
0x1f3: {  	v21 =	vld [tilespmem:s31+$0x87E0]  }
0x1f4: {  	v22 =	vld [tilespmem:s31+$0x7F0]  }
0x1f5: {  	v23 =	vld [tilespmem:s31+$0x87F0]  }
0x1f6: {  	v16 =	vmul.f32 v16, v18;
	v17 =	vmul.f32 v17, v19;
	_ =	sdelay $0x1  }
0x1f7: {  	v16 =	vadd.f32 v17, v16;
	v17 =	vmul.f32 v21, v20;
	_ =	sdelay $0x1  }
0x1f8: {  	v16 =	vadd.f32 v17, v16;
	v17 =	vmul.f32 v23, v22;
	_ =	sdelay $0x1  }
0x1f9: {  	v16 =	vadd.f32 v17, v16;
	_ =	sdelay $0x1  }
0x1fa: {  	[tilespmem:v15+s28+$0x0] =	vst.idx.msk $0xffff, v16  }
0x1fb: {  	v16 =	vld [tilespmem:$0x10400]  }
0x1fc: {  	v17 =	vld [tilespmem:$0x10410];
	_ =	sdelay $0x1  }
0x1fd: {  	v54 =	vld [tilespmem:$0x10420];
	_ =	sdelay $0x1  }
0x1fe: {  	v55 =	vld [tilespmem:$0x10430]  }
0x1ff: {  	v16 =	vadd.f32 v17, v16  }
0x200: {  	v17 =	vld [tilespmem:$0x10440]  }
0x201: {  	v16 =	vadd.f32 v54, v16  }
0x202: {  	v56 =	vld [tilespmem:$0x10450]  }
0x203: {  	v16 =	vadd.f32 v55, v16  }
0x204: {  	v57 =	vld [tilespmem:$0x10460]  }
0x205: {  	v16 =	vadd.f32 v17, v16  }
0x206: {  	v17 =	vld [tilespmem:$0x10470]  }
0x207: {  	v16 =	vadd.f32 v56, v16  }
0x208: {  	v58 =	vld [tilespmem:$0x10480]  }
0x209: {  	v16 =	vadd.f32 v57, v16  }
0x20a: {  	v59 =	vld [tilespmem:$0x10490]  }
0x20b: {  	v16 =	vadd.f32 v17, v16  }
0x20c: {  	v17 =	vld [tilespmem:$0x104A0]  }
0x20d: {  	v16 =	vadd.f32 v58, v16  }
0x20e: {  	v60 =	vld [tilespmem:$0x104B0]  }
0x20f: {  	v16 =	vadd.f32 v59, v16  }
0x210: {  	v61 =	vld [tilespmem:$0x104C0]  }
0x211: {  	v16 =	vadd.f32 v17, v16  }
0x212: {  	v17 =	vld [tilespmem:$0x104D0]  }
0x213: {  	v16 =	vadd.f32 v60, v16  }
0x214: {  	v62 =	vld [tilespmem:$0x104E0]  }
0x215: {  	v16 =	vadd.f32 v61, v16  }
0x216: {  	v63 =	vld [tilespmem:$0x104F0]  }
0x217: {  	v16 =	vadd.f32 v17, v16;
	_ =	sdelay $0x1  }
0x218: {  	v16 =	vadd.f32 v62, v16;
	_ =	sdelay $0x1  }
0x219: {  	s30 =	sadd.s32 $0x1, s30;
	v16 =	vadd.f32 v63, v16  }
0x21a: {  	p0 =	sne.s32 s30, s8  }
.Ltmp1:
0x21b: {  	[tilespmem:s0+$0x0] =	vst v16;
	(pc) =	sbr.rel @p0 .LBB2_1-.Ltmp1, $4  }
0x21c: {  	[hbm4b:s7+s1] =	stream.linear.scatter [tilespmem:s29], [sflag:$0x3], $0x200, $0x38;
	[tilespmem:$0x10700] =	vst v63  }
0x21d: {  	_ =	swait.ge [sflag:s9], $0x200  }
0x21e: {  	[sflag:s9] =	ssyncset.done $0x0  }
0x21f: {  	[sflag:s9] =	ssyncadd.s32 $0xFFFFFE00  }
0x220: {  	_ =	sfence.sel $0x180000  }
0x221: {  	[bflag:$0x0] =	sbarrier.arrive $0xFFFF  }
0x222: {  	_ =	strace $0x90000047  }
0x223: {  	s0 =	stileid.u32;
	[bflag:$0x2] =	sbarrier.arrive $0xFFFF  }
0x224: {  	p0 =	sne.s32 s0, $0x0;
	s0 =	rddreg [dreg:$0x3]  }
0x225: {  	s0 =	sadd.s32 @!p0 $0x100000, s0  }
0x226: {  	[sflag:s0] =	ssyncadd.tile.s32 @!p0 $0x1;
	_ =	shalt  }
.Lfunc_end2:
_tile_overlayer_lowered:
.L_overlay_start_2:
0x227: {  	(tag) =	ssettag $0x2  }
0x228: {  	s0 =	rddreg [dreg:$0x0];
	s2 =	stileid.u32  }
0x229: {  	s1 =	rddreg [dreg:$0x1];
	p0 =	sne.s32 s2, $0x0  }
0x22a: {  	s3 =	rddreg [dreg:$0x2];
	[bflag:$0x3] =	sbarrier.arrive $0xFFFF;
	s2 =	simm.s32 @!p0 $0x1C03  }
0x22b: {  	[timem:s3], [sflag:s2] =	dma.local @!p0 [hbm:s0], s1  }
0x22c: {  	s0 =	simm.s32 @!p0 $0x3  }
0x22d: {  	_ =	swait.ge @!p0 [sflag:s0], s1  }
0x22e: {  	s1 =	ssub.s32 @!p0 $0x0, s1;
	[sflag:s0] =	ssyncset.done @!p0 $0x0  }
0x22f: {  	[sflag:s0] =	ssyncadd.s32 @!p0 s1  }
0x230: {  	[bflag:$0x3] =	sbarrier.arrive $0xFFFF  }
0x231: {  	_ =	shalt  }

</sc_bundles>
